<compile_context>
chip_gen: v7x
topology: tpu7x:2x2x1
jax: 0.10.2.dev20260603
libtpu: 0.0.44.dev20260713+nightly
codegen_flags: <defaults>
</compile_context>

<pallas_src>
import functools

import jax
import jax.numpy as jnp
from jax.experimental import pallas as pl
from jax.experimental.pallas import tpu as pltpu
from jax.experimental.pallas import tpu_sc as plsc

_N = 1024
_H = 256
_EPS_S = 0.005 ** 2
_SINK_ITERS = 20
_AUCTION_ITERS = 5
_BID_EPS = 1e-3
_PAD = 128
_NW = 32


def _assign_kernel(ct_ref, c_ref, n_ref, best_ref, x0p_ref):
    N = _N
    loga = -jnp.log(jnp.float32(N))
    logb = -jnp.log(jnp.float32(N))
    jcol = jax.lax.broadcasted_iota(jnp.int32, (N, N), 1).astype(jnp.float32)
    neg_inf = jnp.float32(-jnp.inf)
    bigf = jnp.float32(N)

    def prep(u):
        cloudT = ct_ref[u]
        noise = n_ref[u]
        mu = jnp.mean(cloudT)
        std = jnp.sqrt(jnp.mean((cloudT - mu) ** 2))
        x0T = cloudT / std
        d2 = (noise[:, 0:1] - x0T[0:1, :]) ** 2
        d2 = d2 + (noise[:, 1:2] - x0T[1:2, :]) ** 2
        d2 = d2 + (noise[:, 2:3] - x0T[2:3, :]) ** 2
        return d2, d2 * 0.5, std

    d2a, Ca, stda = prep(0)
    d2b, Cb, stdb = prep(1)

    eps_s = jnp.float32(_EPS_S)

    def half_sink(g, C):
        A = (g - C) / eps_s + logb
        m = jnp.max(A, axis=1, keepdims=True)
        f = -eps_s * (jnp.log(jnp.sum(jnp.exp(A - m), axis=1, keepdims=True))
                      + m)
        A2 = (f - C) / eps_s + loga
        m2 = jnp.max(A2, axis=0, keepdims=True)
        return -eps_s * (jnp.log(jnp.sum(jnp.exp(A2 - m2), axis=0,
                                         keepdims=True)) + m2)

    def sink(_, GG):
        ga, gb = GG
        return (half_sink(ga, Ca), half_sink(gb, Cb))

    g0 = jnp.zeros((1, N), jnp.float32)
    ga, gb = jax.lax.fori_loop(0, _SINK_ITERS, sink, (g0, g0))
    pricea = -ga
    priceb = -gb

    def half_auct(price, d2):
        score = d2 + price
        s1 = jnp.max(score, axis=1, keepdims=True)
        idx = jnp.min(jnp.where(score == s1, jcol, bigf), axis=1,
                      keepdims=True)
        hit = jcol == idx
        s2 = jnp.max(jnp.where(hit, neg_inf, score), axis=1, keepdims=True)
        bid = (s2 - s1) + jnp.float32(_BID_EPS)
        scat = jnp.max(jnp.where(hit, bid, neg_inf), axis=0, keepdims=True)
        return jnp.where(scat != neg_inf, scat, price), idx

    def auct(_, carry):
        pa, pb, _ba, _bb = carry
        pa, ba = half_auct(pa, d2a)
        pb, bb = half_auct(pb, d2b)
        return (pa, pb, ba, bb)

    best0 = jnp.zeros((N, 1), jnp.float32)
    pricea, priceb, _, _ = jax.lax.fori_loop(
        0, _AUCTION_ITERS - 1, auct, (pricea, priceb, best0, best0))

    def final_arg(price, d2):
        score = d2 + price
        s1 = jnp.max(score, axis=1, keepdims=True)
        return jnp.min(jnp.where(score == s1, jcol, bigf), axis=1,
                       keepdims=True)

    besta = final_arg(pricea, d2a)
    bestb = final_arg(priceb, d2b)

    b = pl.program_id(0)
    base = 2 * b * N
    best_ref[0] = jnp.swapaxes(besta.astype(jnp.int32) + base, 0, 1)
    best_ref[1] = jnp.swapaxes(bestb.astype(jnp.int32) + (base + N), 0, 1)

    zpad = jnp.zeros((N, _PAD - 3), jnp.float32)
    x0p_ref[0] = jnp.concatenate([c_ref[0] / stda, zpad], axis=1)
    x0p_ref[1] = jnp.concatenate([c_ref[1] / stdb, zpad], axis=1)


def _sc_gather(table, idxflat):
    BN = table.shape[0]
    bpw = BN // _NW
    mesh = plsc.VectorSubcoreMesh(core_axis_name="c", subcore_axis_name="s")

    @functools.partial(
        pl.kernel, mesh=mesh,
        out_type=jax.ShapeDtypeStruct((BN, _PAD), jnp.float32),
        scratch_types=[
            pltpu.VMEM((bpw,), jnp.int32),
            pltpu.VMEM((bpw, _PAD), jnp.float32),
            pltpu.SemaphoreType.DMA,
        ],
    )
    def k(table_hbm, idx_hbm, out_hbm, idx_v, rows_v, sem):
        wid = jax.lax.axis_index("s") * 2 + jax.lax.axis_index("c")
        base = wid * bpw
        pltpu.sync_copy(idx_hbm.at[pl.ds(base, bpw)], idx_v)
        pltpu.async_copy(table_hbm.at[idx_v], rows_v, sem).wait()
        pltpu.sync_copy(rows_v, out_hbm.at[pl.ds(base, bpw)])

    return k(table, idxflat)


def _mlp_kernel(xal_ref, n_ref, t_ref, w1_ref, b1_ref, w2t_ref, b2_ref,
                vp_ref, v_ref):
    x0_al = xal_ref[0][:, 0:3]
    noise = n_ref[0]
    t = t_ref[0, 0, 0]

    x_t = (1.0 - t) * x0_al + t * noise
    v = noise - x0_al

    w1 = w1_ref[...]
    b1 = b1_ref[...]
    w2t = w2t_ref[...]
    b2 = b2_ref[...]
    pre = (x_t[:, 0:1] * w1[0:1, :] + x_t[:, 1:2] * w1[1:2, :]
           + x_t[:, 2:3] * w1[2:3, :] + t * w1[3:4, :] + b1)
    h = jnp.tanh(pre)
    vp = jnp.concatenate(
        [jnp.sum(h * w2t[c:c + 1, :], axis=1, keepdims=True) for c in range(3)],
        axis=1) + b2

    vp_ref[0] = vp
    v_ref[0] = v


def kernel(cloud, noise, t, W1, b1, W2, b2):
    B = cloud.shape[0]
    nsplit = 2
    step = B // nsplit
    outs = [
        _half_pipeline(cloud[i:i + step], noise[i:i + step], t[i:i + step],
                       W1, b1, W2, b2)
        for i in range(0, B, step)
    ]
    vp = jnp.concatenate([o[0] for o in outs], axis=0)
    v = jnp.concatenate([o[1] for o in outs], axis=0)
    return (vp, v)


def _half_pipeline(cloud, noise, t, W1, b1, W2, b2):
    B, N, _ = cloud.shape
    H = W1.shape[1]
    cloudT = jnp.swapaxes(cloud, 1, 2)
    t3 = t.reshape(B, 1, 1)
    b1r = b1.reshape(1, H)
    W2T = W2.T
    b2r = b2.reshape(1, 3)

    best, x0p = pl.pallas_call(
        _assign_kernel,
        grid=(B // 2,),
        in_specs=[
            pl.BlockSpec((2, 3, N), lambda b: (b, 0, 0)),
            pl.BlockSpec((2, N, 3), lambda b: (b, 0, 0)),
            pl.BlockSpec((2, N, 3), lambda b: (b, 0, 0)),
        ],
        out_specs=[
            pl.BlockSpec((2, 1, N), lambda b: (b, 0, 0)),
            pl.BlockSpec((2, N, _PAD), lambda b: (b, 0, 0)),
        ],
        out_shape=[
            jax.ShapeDtypeStruct((B, 1, N), jnp.int32),
            jax.ShapeDtypeStruct((B, N, _PAD), jnp.float32),
        ],
        compiler_params=pltpu.CompilerParams(
            dimension_semantics=("parallel",)),
    )(cloudT, cloud, noise)

    gathered = _sc_gather(x0p.reshape(B * N, _PAD), best.reshape(B * N))
    x0al = gathered.reshape(B, N, _PAD)

    vp, v = pl.pallas_call(
        _mlp_kernel,
        grid=(B,),
        in_specs=[
            pl.BlockSpec((1, N, _PAD), lambda b: (b, 0, 0)),
            pl.BlockSpec((1, N, 3), lambda b: (b, 0, 0)),
            pl.BlockSpec((1, 1, 1), lambda b: (b, 0, 0)),
            pl.BlockSpec((4, H), lambda b: (0, 0)),
            pl.BlockSpec((1, H), lambda b: (0, 0)),
            pl.BlockSpec((3, H), lambda b: (0, 0)),
            pl.BlockSpec((1, 3), lambda b: (0, 0)),
        ],
        out_specs=[
            pl.BlockSpec((1, N, 3), lambda b: (b, 0, 0)),
            pl.BlockSpec((1, N, 3), lambda b: (b, 0, 0)),
        ],
        out_shape=[jax.ShapeDtypeStruct((B, N, 3), jnp.float32)] * 2,
        compiler_params=pltpu.CompilerParams(
            dimension_semantics=("parallel",)),
    )(x0al, noise, t3, W1, b1r, W2T, b2r)
    return (vp, v)

# --- scband reference (transcript-rebuilt; emitter-appended) ---
"""Pipeline reference for scband-diffusion-model-11501922418758 (READ-ONLY COPY).

The authoritative reference and input builder live on the scoring server;
editing this copy changes nothing except your own understanding.
"""

import jax, jax.numpy as jnp
import numpy as np
from jax.scipy.special import logsumexp


def _auction(x, y, iterations=5, eps=1e-3):
    # Faithful port of get_bijective_auction_keops: sinkhorn dual potential init
    # (geomloss SamplesLoss, p=2, blur=0.005 -> eps_sink = blur**2, C = |x-y|^2/2),
    # then 5 auction rounds with Kmin_argKmin(K=2) over value = -(dist_sq + price)
    # and scatter_reduce amax (include_self=False) on the price vector.
    B, Nx, _ = x.shape
    Ny = y.shape[1]
    d2 = jnp.sum((x[:, :, None, :] - y[:, None, :, :]) ** 2, axis=-1)  # [B,Nx,Ny]
    C = d2 / 2.0
    eps_s = 0.005 ** 2
    loga = -jnp.log(float(Nx))
    logb = -jnp.log(float(Ny))
    f = jnp.zeros((B, Nx), dtype=x.dtype)
    g = jnp.zeros((B, Ny), dtype=x.dtype)
    for _ in range(20):
        f = -eps_s * logsumexp((g[:, None, :] - C) / eps_s + logb, axis=2)
        g = -eps_s * logsumexp((f[:, :, None] - C) / eps_s + loga, axis=1)
    price = -g
    bidx = jnp.broadcast_to(jnp.arange(B)[:, None], (B, Nx))
    best = jnp.zeros((B, Nx), dtype=jnp.int32)
    for _ in range(iterations):
        value = -(d2 + price[:, None, :])
        # keops Kmin_argKmin(K=2): two smallest entries of `value` along dim=2
        neg_top2, idx_top2 = jax.lax.top_k(-value, 2)
        v_top2 = -neg_top2
        v1 = -v_top2[:, :, 0]
        v2 = -v_top2[:, :, 1]
        best = idx_top2[:, :, 0]
        bid = v2 - v1 + eps
        # scatter_reduce_(1, best, bid, reduce='amax', include_self=False):
        # targeted slots become pure amax of incoming bids, others unchanged.
        scattered = jnp.full((B, Ny), -jnp.inf, dtype=price.dtype).at[bidx, best].max(bid)
        price = jnp.where(jnp.isfinite(scattered), scattered, price)
    return best


def _network(x_t, t, W1, b1, W2, b2):
    # Stand-in for get_diffusion_network(): pointwise MLP conditioned on t.
    B, N, _ = x_t.shape
    tb = jnp.broadcast_to(t[:, None, None], (B, N, 1))
    h = jnp.tanh(jnp.concatenate([x_t, tb], axis=-1) @ W1 + b1)
    return h @ W2 + b2


def setup_inputs(seed: int = 0) -> dict:
    key = jax.random.key(seed)
    k1, k2, k3, k4, k5 = jax.random.split(key, 5)
    B, N, H = 16, 1024, 256
    return {
        "cloud": jax.random.normal(k1, (B, N, 3), dtype=jnp.float32),
        "noise": jax.random.normal(k2, (B, N, 3), dtype=jnp.float32),
        "t": jax.random.uniform(k3, (B,), dtype=jnp.float32),
        "W1": jax.random.normal(k4, (4, H), dtype=jnp.float32) * 0.1,
        "b1": jnp.zeros((H,), dtype=jnp.float32),
        "W2": jax.random.normal(k5, (H, 3), dtype=jnp.float32) * 0.1,
        "b2": jnp.zeros((3,), dtype=jnp.float32),
    }


def reference(cloud, noise, t, W1, b1, W2, b2):
    # DiffusionModel.forward (rectified flow training step)
    x0 = cloud / jnp.std(cloud, axis=(1, 2), keepdims=True)
    indices = _auction(noise, x0)  # bijective-ish assignment noise -> x0
    B, N = x0.shape[:2]
    bidx = jnp.broadcast_to(jnp.arange(B)[:, None], (B, N))
    x0_aligned = x0[bidx, indices]
    t_view = t[:, None, None]
    x_t = (1.0 - t_view) * x0_aligned + t_view * noise
    v_pred = _network(x_t, t, W1, b1, W2, b2)
    v = noise - x0_aligned
    return (v_pred, v)

if __name__ == "__main__":
    import jax
    _d = setup_inputs()
    print(jax.jit(kernel)(*tuple(_d.values())))

</pallas_src>

<mosaic_0001>
#map = affine_map<(d0, d1) -> (0, 0)>
#map1 = affine_map<(d0, d1) -> (0)>
module attributes {stable_mosaic.version = 14 : i64} {
  func.func @k(%arg0: i32, %arg1: i32, %arg2: memref<8192x128xf32, #tpu.memory_space<hbm>>, %arg3: memref<8192xi32, #tpu.memory_space<hbm>>, %arg4: memref<8192x128xf32, #tpu.memory_space<hbm>>, %arg5: memref<256xi32, #tpu.memory_space<vmem>>, %arg6: memref<256x128xf32, #tpu.memory_space<vmem>>, %arg7: memref<!tpu.dma_semaphore, #tpu.memory_space<semaphore_mem>>) attributes {dimension_semantics = [#tpu.dimension_semantics<core_parallel>, #tpu.dimension_semantics<subcore_parallel>], iteration_bounds = array<i64: 2, 16>, scalar_prefetch = 0 : i64, scratch_operands = 3 : i64, tpu.core_type = #tpu.core_type<sc_vector_subcore>, window_params = [{transform_indices = #map}, {transform_indices = #map1}, {transform_indices = #map}]} {
    %mul3A = arith.constant 2 : i32
    %mul3A_0 = arith.muli %arg1, %mul3A : i32
    %add3A = arith.addi %mul3A_0, %arg0 : i32
    %mul3A_1 = arith.constant 256 : i32
    %mul3A_2 = arith.muli %add3A, %mul3A_1 : i32
    "tpu.region"() ({
      %run_scoped3A = tpu.sem_alloc : memref<!tpu.dma_semaphore, #tpu.memory_space<semaphore_mem>>
      %dma_start3A_7 = tpu.memref_slice %arg3[%mul3A_2] : memref<8192xi32, #tpu.memory_space<hbm>> -> memref<256xi32, #tpu.memory_space<hbm>>
      %dma_start3A_8 = tpu.memref_slice %arg3[%mul3A_2] : memref<8192xi32, #tpu.memory_space<hbm>> -> memref<256xi32, #tpu.memory_space<hbm>>
      tpu.enqueue_dma source(%dma_start3A_8 : memref<256xi32, #tpu.memory_space<hbm>>) target(%arg5 : memref<256xi32, #tpu.memory_space<vmem>>) target_semaphore(%run_scoped3A : memref<!tpu.dma_semaphore, #tpu.memory_space<semaphore_mem>>)
      %dma_wait3A_9 = tpu.memref_slice %arg3[%mul3A_2] : memref<8192xi32, #tpu.memory_space<hbm>> -> memref<256xi32, #tpu.memory_space<hbm>>
      %dma_wait3A_10 = tpu.memref_slice %arg3[%mul3A_2] : memref<8192xi32, #tpu.memory_space<hbm>> -> memref<256xi32, #tpu.memory_space<hbm>>
      tpu.wait_dma2 semaphore(%run_scoped3A : memref<!tpu.dma_semaphore, #tpu.memory_space<semaphore_mem>>) src(%dma_wait3A_10 : memref<256xi32, #tpu.memory_space<hbm>>) dst(%arg5 : memref<256xi32, #tpu.memory_space<vmem>>)
      tpu.yield
    }) : () -> ()
    %dma_start3A = arith.constant 0 : i32
    %dma_start3A_3 = arith.constant 0 : i32
    %dma_start3A_4 = tpu.memref_slice %arg2[%dma_start3A, %dma_start3A_3] : memref<8192x128xf32, #tpu.memory_space<hbm>> -> memref<8192x128xf32, #tpu.memory_space<hbm>>
    tpu.enqueue_indirect_dma source(%dma_start3A_4 : memref<8192x128xf32, #tpu.memory_space<hbm>>) target(%arg6 : memref<256x128xf32, #tpu.memory_space<vmem>>) offsets(%arg5 : memref<256xi32, #tpu.memory_space<vmem>>) semaphore(%arg7 : memref<!tpu.dma_semaphore, #tpu.memory_space<semaphore_mem>>)
    %dma_wait3A = arith.constant 0 : i32
    %dma_wait3A_5 = arith.constant 0 : i32
    %dma_wait3A_6 = tpu.memref_slice %arg2[%dma_wait3A, %dma_wait3A_5] : memref<8192x128xf32, #tpu.memory_space<hbm>> -> memref<8192x128xf32, #tpu.memory_space<hbm>>
    tpu.wait_indirect_dma semaphore(%arg7 : memref<!tpu.dma_semaphore, #tpu.memory_space<semaphore_mem>>) src(%dma_wait3A_6 : memref<8192x128xf32, #tpu.memory_space<hbm>>) dst(%arg6 : memref<256x128xf32, #tpu.memory_space<vmem>>)
    "tpu.region"() ({
      %run_scoped3A = tpu.sem_alloc : memref<!tpu.dma_semaphore, #tpu.memory_space<semaphore_mem>>
      %dma_start3A_7 = arith.constant 0 : i32
      %dma_start3A_8 = tpu.memref_slice %arg4[%mul3A_2, %dma_start3A_7] : memref<8192x128xf32, #tpu.memory_space<hbm>> -> memref<256x128xf32, #tpu.memory_space<hbm>>
      %dma_start3A_9 = arith.constant 0 : i32
      %dma_start3A_10 = tpu.memref_slice %arg4[%mul3A_2, %dma_start3A_9] : memref<8192x128xf32, #tpu.memory_space<hbm>> -> memref<256x128xf32, #tpu.memory_space<hbm>>
      tpu.enqueue_dma source(%arg6 : memref<256x128xf32, #tpu.memory_space<vmem>>) target(%dma_start3A_10 : memref<256x128xf32, #tpu.memory_space<hbm>>) target_semaphore(%run_scoped3A : memref<!tpu.dma_semaphore, #tpu.memory_space<semaphore_mem>>)
      %dma_wait3A_11 = arith.constant 0 : i32
      %dma_wait3A_12 = tpu.memref_slice %arg4[%mul3A_2, %dma_wait3A_11] : memref<8192x128xf32, #tpu.memory_space<hbm>> -> memref<256x128xf32, #tpu.memory_space<hbm>>
      %dma_wait3A_13 = arith.constant 0 : i32
      %dma_wait3A_14 = tpu.memref_slice %arg4[%mul3A_2, %dma_wait3A_13] : memref<8192x128xf32, #tpu.memory_space<hbm>> -> memref<256x128xf32, #tpu.memory_space<hbm>>
      tpu.wait_dma2 semaphore(%run_scoped3A : memref<!tpu.dma_semaphore, #tpu.memory_space<semaphore_mem>>) src(%arg6 : memref<256x128xf32, #tpu.memory_space<vmem>>) dst(%dma_wait3A_14 : memref<256x128xf32, #tpu.memory_space<hbm>>)
      tpu.yield
    }) : () -> ()
    return
  }
}

#map = affine_map<(d0, d1) -> (0, 0)>
#map1 = affine_map<(d0, d1) -> (0)>
module attributes {stable_mosaic.version = 14 : i64} {
  func.func @k(%arg0: i32, %arg1: i32, %arg2: memref<8192x128xf32, #tpu.memory_space<hbm>>, %arg3: memref<8192xi32, #tpu.memory_space<hbm>>, %arg4: memref<8192x128xf32, #tpu.memory_space<hbm>>, %arg5: memref<256xi32, #tpu.memory_space<vmem>>, %arg6: memref<256x128xf32, #tpu.memory_space<vmem>>, %arg7: memref<!tpu.dma_semaphore, #tpu.memory_space<semaphore_mem>>) attributes {dimension_semantics = [#tpu.dimension_semantics<core_parallel>, #tpu.dimension_semantics<subcore_parallel>], iteration_bounds = array<i64: 2, 16>, scalar_prefetch = 0 : i64, scratch_operands = 3 : i64, tpu.core_type = #tpu.core_type<sc_vector_subcore>, window_params = [{transform_indices = #map}, {transform_indices = #map1}, {transform_indices = #map}]} {
    %mul3A = arith.constant 2 : i32
    %mul3A_0 = arith.muli %arg1, %mul3A : i32
    %add3A = arith.addi %mul3A_0, %arg0 : i32
    %mul3A_1 = arith.constant 256 : i32
    %mul3A_2 = arith.muli %add3A, %mul3A_1 : i32
    "tpu.region"() ({
      %run_scoped3A = tpu.sem_alloc : memref<!tpu.dma_semaphore, #tpu.memory_space<semaphore_mem>>
      %dma_start3A_7 = tpu.memref_slice %arg3[%mul3A_2] : memref<8192xi32, #tpu.memory_space<hbm>> -> memref<256xi32, #tpu.memory_space<hbm>>
      %dma_start3A_8 = tpu.memref_slice %arg3[%mul3A_2] : memref<8192xi32, #tpu.memory_space<hbm>> -> memref<256xi32, #tpu.memory_space<hbm>>
      tpu.enqueue_dma source(%dma_start3A_8 : memref<256xi32, #tpu.memory_space<hbm>>) target(%arg5 : memref<256xi32, #tpu.memory_space<vmem>>) target_semaphore(%run_scoped3A : memref<!tpu.dma_semaphore, #tpu.memory_space<semaphore_mem>>)
      %dma_wait3A_9 = tpu.memref_slice %arg3[%mul3A_2] : memref<8192xi32, #tpu.memory_space<hbm>> -> memref<256xi32, #tpu.memory_space<hbm>>
      %dma_wait3A_10 = tpu.memref_slice %arg3[%mul3A_2] : memref<8192xi32, #tpu.memory_space<hbm>> -> memref<256xi32, #tpu.memory_space<hbm>>
      tpu.wait_dma2 semaphore(%run_scoped3A : memref<!tpu.dma_semaphore, #tpu.memory_space<semaphore_mem>>) src(%dma_wait3A_10 : memref<256xi32, #tpu.memory_space<hbm>>) dst(%arg5 : memref<256xi32, #tpu.memory_space<vmem>>)
      tpu.yield
    }) : () -> ()
    %dma_start3A = arith.constant 0 : i32
    %dma_start3A_3 = arith.constant 0 : i32
    %dma_start3A_4 = tpu.memref_slice %arg2[%dma_start3A, %dma_start3A_3] : memref<8192x128xf32, #tpu.memory_space<hbm>> -> memref<8192x128xf32, #tpu.memory_space<hbm>>
    tpu.enqueue_indirect_dma source(%dma_start3A_4 : memref<8192x128xf32, #tpu.memory_space<hbm>>) target(%arg6 : memref<256x128xf32, #tpu.memory_space<vmem>>) offsets(%arg5 : memref<256xi32, #tpu.memory_space<vmem>>) semaphore(%arg7 : memref<!tpu.dma_semaphore, #tpu.memory_space<semaphore_mem>>)
    %dma_wait3A = arith.constant 0 : i32
    %dma_wait3A_5 = arith.constant 0 : i32
    %dma_wait3A_6 = tpu.memref_slice %arg2[%dma_wait3A, %dma_wait3A_5] : memref<8192x128xf32, #tpu.memory_space<hbm>> -> memref<8192x128xf32, #tpu.memory_space<hbm>>
    tpu.wait_indirect_dma semaphore(%arg7 : memref<!tpu.dma_semaphore, #tpu.memory_space<semaphore_mem>>) src(%dma_wait3A_6 : memref<8192x128xf32, #tpu.memory_space<hbm>>) dst(%arg6 : memref<256x128xf32, #tpu.memory_space<vmem>>)
    "tpu.region"() ({
      %run_scoped3A = tpu.sem_alloc : memref<!tpu.dma_semaphore, #tpu.memory_space<semaphore_mem>>
      %dma_start3A_7 = arith.constant 0 : i32
      %dma_start3A_8 = tpu.memref_slice %arg4[%mul3A_2, %dma_start3A_7] : memref<8192x128xf32, #tpu.memory_space<hbm>> -> memref<256x128xf32, #tpu.memory_space<hbm>>
      %dma_start3A_9 = arith.constant 0 : i32
      %dma_start3A_10 = tpu.memref_slice %arg4[%mul3A_2, %dma_start3A_9] : memref<8192x128xf32, #tpu.memory_space<hbm>> -> memref<256x128xf32, #tpu.memory_space<hbm>>
      tpu.enqueue_dma source(%arg6 : memref<256x128xf32, #tpu.memory_space<vmem>>) target(%dma_start3A_10 : memref<256x128xf32, #tpu.memory_space<hbm>>) target_semaphore(%run_scoped3A : memref<!tpu.dma_semaphore, #tpu.memory_space<semaphore_mem>>)
      %dma_wait3A_11 = arith.constant 0 : i32
      %dma_wait3A_12 = tpu.memref_slice %arg4[%mul3A_2, %dma_wait3A_11] : memref<8192x128xf32, #tpu.memory_space<hbm>> -> memref<256x128xf32, #tpu.memory_space<hbm>>
      %dma_wait3A_13 = arith.constant 0 : i32
      %dma_wait3A_14 = tpu.memref_slice %arg4[%mul3A_2, %dma_wait3A_13] : memref<8192x128xf32, #tpu.memory_space<hbm>> -> memref<256x128xf32, #tpu.memory_space<hbm>>
      tpu.wait_dma2 semaphore(%run_scoped3A : memref<!tpu.dma_semaphore, #tpu.memory_space<semaphore_mem>>) src(%arg6 : memref<256x128xf32, #tpu.memory_space<vmem>>) dst(%dma_wait3A_14 : memref<256x128xf32, #tpu.memory_space<hbm>>)
      tpu.yield
    }) : () -> ()
    return
  }
}

module attributes {stable_mosaic.version = 14 : i64} {
  func.func @_assign_kernel(%arg0: i32, %arg1: memref<2x3x1024xf32, #tpu.memory_space<vmem>>, %arg2: memref<2x1024x3xf32, #tpu.memory_space<vmem>>, %arg3: memref<2x1024x3xf32, #tpu.memory_space<vmem>>, %arg4: memref<2x1x1024xi32, #tpu.memory_space<vmem>>, %arg5: memref<2x1024x128xf32, #tpu.memory_space<vmem>>) attributes {dimension_semantics = [#tpu.dimension_semantics<parallel>], iteration_bounds = array<i64: 4>, scalar_prefetch = 0 : i64, scratch_operands = 0 : i64, tpu.core_type = #tpu.core_type<tc>, window_params = [{transform_indices = @transform_0, window_bounds = array<i64: 2, 3, 1024>}, {transform_indices = @transform_1, window_bounds = array<i64: 2, 1024, 3>}, {transform_indices = @transform_2, window_bounds = array<i64: 2, 1024, 3>}, {transform_indices = @transform_3, window_bounds = array<i64: 2, 1, 1024>}, {transform_indices = @transform_4, window_bounds = array<i64: 2, 1024, 128>}]} {
    %log3A = arith.constant 1.024000e+03 : f32
    %log3A_0 = math.log %log3A : f32
    %neg3A = arith.constant 0.000000e+00 : f32
    %neg3A_1 = arith.subf %neg3A, %log3A_0 : f32
    %log3A_2 = arith.constant 1.024000e+03 : f32
    %log3A_3 = math.log %log3A_2 : f32
    %neg3A_4 = arith.constant 0.000000e+00 : f32
    %neg3A_5 = arith.subf %neg3A_4, %log3A_3 : f32
    %iota3A = tpu.iota {dimensions = array<i32: 1>} : vector<1024x1024xi32>
    %convert_element_type3A = arith.sitofp %iota3A : vector<1024x1024xi32> to vector<1024x1024xf32>
    %get3A = arith.constant 0 : index
    %get3A_6 = arith.constant 0 : index
    %get3A_7 = arith.constant 0 : index
    %get3A_8 = vector.load %arg1[%get3A, %get3A_6, %get3A_7] : memref<2x3x1024xf32, #tpu.memory_space<vmem>>, vector<1x3x1024xf32>
    %get3A_9 = vector.shape_cast %get3A_8 : vector<1x3x1024xf32> to vector<3x1024xf32>
    %get3A_10 = arith.constant 0 : index
    %get3A_11 = arith.constant 0 : index
    %get3A_12 = arith.constant 0 : index
    %get3A_13 = vector.load %arg3[%get3A_10, %get3A_11, %get3A_12] : memref<2x1024x3xf32, #tpu.memory_space<vmem>>, vector<1x1024x3xf32>
    %get3A_14 = vector.shape_cast %get3A_13 : vector<1x1024x3xf32> to vector<1024x3xf32>
    %reduce_sum3A = vector.shape_cast %get3A_9 : vector<3x1024xf32> to vector<1x3x1024xf32>
    %reduce_sum3A_15 = arith.constant dense<0.000000e+00> : vector<1xf32>
    %reduce_sum3A_16 = vector.multi_reduction <add>, %reduce_sum3A, %reduce_sum3A_15 [1, 2] : vector<1x3x1024xf32> to vector<1xf32>
    %reduce_sum3A_17 = vector.shape_cast %reduce_sum3A_16 : vector<1xf32> to vector<1x1x1xf32>
    %reduce_sum3A_18 = vector.extract %reduce_sum3A_17[0, 0, 0] : f32 from vector<1x1x1xf32>
    %div3A = arith.constant 3.072000e+03 : f32
    %div3A_19 = arith.divf %reduce_sum3A_18, %div3A : f32
    %sub3A = vector.broadcast %div3A_19 : f32 to vector<3x1024xf32>
    %sub3A_20 = arith.subf %get3A_9, %sub3A : vector<3x1024xf32>
    %integer_pow3A = arith.mulf %sub3A_20, %sub3A_20 : vector<3x1024xf32>
    %reduce_sum3A_21 = vector.shape_cast %integer_pow3A : vector<3x1024xf32> to vector<1x3x1024xf32>
    %reduce_sum3A_22 = arith.constant dense<0.000000e+00> : vector<1xf32>
    %reduce_sum3A_23 = vector.multi_reduction <add>, %reduce_sum3A_21, %reduce_sum3A_22 [1, 2] : vector<1x3x1024xf32> to vector<1xf32>
    %reduce_sum3A_24 = vector.shape_cast %reduce_sum3A_23 : vector<1xf32> to vector<1x1x1xf32>
    %reduce_sum3A_25 = vector.extract %reduce_sum3A_24[0, 0, 0] : f32 from vector<1x1x1xf32>
    %div3A_26 = arith.constant 3.072000e+03 : f32
    %div3A_27 = arith.divf %reduce_sum3A_25, %div3A_26 : f32
    %sqrt3A = math.sqrt %div3A_27 : f32
    %div3A_28 = vector.broadcast %sqrt3A : f32 to vector<3x1024xf32>
    %div3A_29 = arith.divf %get3A_9, %div3A_28 : vector<3x1024xf32>
    %slice3A = vector.extract_strided_slice %get3A_14 {offsets = [0, 0], sizes = [1024, 1], strides = [1, 1]} : vector<1024x3xf32> to vector<1024x1xf32>
    %slice3A_30 = vector.extract_strided_slice %div3A_29 {offsets = [0, 0], sizes = [1, 1024], strides = [1, 1]} : vector<3x1024xf32> to vector<1x1024xf32>
    %sub3A_31 = vector.broadcast %slice3A : vector<1024x1xf32> to vector<1024x1024xf32>
    %sub3A_32 = vector.broadcast %slice3A_30 : vector<1x1024xf32> to vector<1024x1024xf32>
    %sub3A_33 = arith.subf %sub3A_31, %sub3A_32 : vector<1024x1024xf32>
    %integer_pow3A_34 = arith.mulf %sub3A_33, %sub3A_33 : vector<1024x1024xf32>
    %slice3A_35 = vector.extract_strided_slice %get3A_14 {offsets = [0, 1], sizes = [1024, 1], strides = [1, 1]} : vector<1024x3xf32> to vector<1024x1xf32>
    %slice3A_36 = vector.extract_strided_slice %div3A_29 {offsets = [1, 0], sizes = [1, 1024], strides = [1, 1]} : vector<3x1024xf32> to vector<1x1024xf32>
    %sub3A_37 = vector.broadcast %slice3A_35 : vector<1024x1xf32> to vector<1024x1024xf32>
    %sub3A_38 = vector.broadcast %slice3A_36 : vector<1x1024xf32> to vector<1024x1024xf32>
    %sub3A_39 = arith.subf %sub3A_37, %sub3A_38 : vector<1024x1024xf32>
    %integer_pow3A_40 = arith.mulf %sub3A_39, %sub3A_39 : vector<1024x1024xf32>
    %add3A = arith.addf %integer_pow3A_34, %integer_pow3A_40 : vector<1024x1024xf32>
    %slice3A_41 = vector.extract_strided_slice %get3A_14 {offsets = [0, 2], sizes = [1024, 1], strides = [1, 1]} : vector<1024x3xf32> to vector<1024x1xf32>
    %slice3A_42 = vector.extract_strided_slice %div3A_29 {offsets = [2, 0], sizes = [1, 1024], strides = [1, 1]} : vector<3x1024xf32> to vector<1x1024xf32>
    %sub3A_43 = vector.broadcast %slice3A_41 : vector<1024x1xf32> to vector<1024x1024xf32>
    %sub3A_44 = vector.broadcast %slice3A_42 : vector<1x1024xf32> to vector<1024x1024xf32>
    %sub3A_45 = arith.subf %sub3A_43, %sub3A_44 : vector<1024x1024xf32>
    %integer_pow3A_46 = arith.mulf %sub3A_45, %sub3A_45 : vector<1024x1024xf32>
    %add3A_47 = arith.addf %add3A, %integer_pow3A_46 : vector<1024x1024xf32>
    %mul3A = arith.constant 5.000000e-01 : f32
    %mul3A_48 = vector.broadcast %mul3A : f32 to vector<1024x1024xf32>
    %mul3A_49 = arith.mulf %add3A_47, %mul3A_48 : vector<1024x1024xf32>
    %get3A_50 = arith.constant 1 : index
    %get3A_51 = arith.constant 0 : index
    %get3A_52 = arith.constant 0 : index
    %get3A_53 = vector.load %arg1[%get3A_50, %get3A_51, %get3A_52] : memref<2x3x1024xf32, #tpu.memory_space<vmem>>, vector<1x3x1024xf32>
    %get3A_54 = vector.shape_cast %get3A_53 : vector<1x3x1024xf32> to vector<3x1024xf32>
    %get3A_55 = arith.constant 1 : index
    %get3A_56 = arith.constant 0 : index
    %get3A_57 = arith.constant 0 : index
    %get3A_58 = vector.load %arg3[%get3A_55, %get3A_56, %get3A_57] : memref<2x1024x3xf32, #tpu.memory_space<vmem>>, vector<1x1024x3xf32>
    %get3A_59 = vector.shape_cast %get3A_58 : vector<1x1024x3xf32> to vector<1024x3xf32>
    %reduce_sum3A_60 = vector.shape_cast %get3A_54 : vector<3x1024xf32> to vector<1x3x1024xf32>
    %reduce_sum3A_61 = arith.constant dense<0.000000e+00> : vector<1xf32>
    %reduce_sum3A_62 = vector.multi_reduction <add>, %reduce_sum3A_60, %reduce_sum3A_61 [1, 2] : vector<1x3x1024xf32> to vector<1xf32>
    %reduce_sum3A_63 = vector.shape_cast %reduce_sum3A_62 : vector<1xf32> to vector<1x1x1xf32>
    %reduce_sum3A_64 = vector.extract %reduce_sum3A_63[0, 0, 0] : f32 from vector<1x1x1xf32>
    %div3A_65 = arith.constant 3.072000e+03 : f32
    %div3A_66 = arith.divf %reduce_sum3A_64, %div3A_65 : f32
    %sub3A_67 = vector.broadcast %div3A_66 : f32 to vector<3x1024xf32>
    %sub3A_68 = arith.subf %get3A_54, %sub3A_67 : vector<3x1024xf32>
    %integer_pow3A_69 = arith.mulf %sub3A_68, %sub3A_68 : vector<3x1024xf32>
    %reduce_sum3A_70 = vector.shape_cast %integer_pow3A_69 : vector<3x1024xf32> to vector<1x3x1024xf32>
    %reduce_sum3A_71 = arith.constant dense<0.000000e+00> : vector<1xf32>
    %reduce_sum3A_72 = vector.multi_reduction <add>, %reduce_sum3A_70, %reduce_sum3A_71 [1, 2] : vector<1x3x1024xf32> to vector<1xf32>
    %reduce_sum3A_73 = vector.shape_cast %reduce_sum3A_72 : vector<1xf32> to vector<1x1x1xf32>
    %reduce_sum3A_74 = vector.extract %reduce_sum3A_73[0, 0, 0] : f32 from vector<1x1x1xf32>
    %div3A_75 = arith.constant 3.072000e+03 : f32
    %div3A_76 = arith.divf %reduce_sum3A_74, %div3A_75 : f32
    %sqrt3A_77 = math.sqrt %div3A_76 : f32
    %div3A_78 = vector.broadcast %sqrt3A_77 : f32 to vector<3x1024xf32>
    %div3A_79 = arith.divf %get3A_54, %div3A_78 : vector<3x1024xf32>
    %slice3A_80 = vector.extract_strided_slice %get3A_59 {offsets = [0, 0], sizes = [1024, 1], strides = [1, 1]} : vector<1024x3xf32> to vector<1024x1xf32>
    %slice3A_81 = vector.extract_strided_slice %div3A_79 {offsets = [0, 0], sizes = [1, 1024], strides = [1, 1]} : vector<3x1024xf32> to vector<1x1024xf32>
    %sub3A_82 = vector.broadcast %slice3A_80 : vector<1024x1xf32> to vector<1024x1024xf32>
    %sub3A_83 = vector.broadcast %slice3A_81 : vector<1x1024xf32> to vector<1024x1024xf32>
    %sub3A_84 = arith.subf %sub3A_82, %sub3A_83 : vector<1024x1024xf32>
    %integer_pow3A_85 = arith.mulf %sub3A_84, %sub3A_84 : vector<1024x1024xf32>
    %slice3A_86 = vector.extract_strided_slice %get3A_59 {offsets = [0, 1], sizes = [1024, 1], strides = [1, 1]} : vector<1024x3xf32> to vector<1024x1xf32>
    %slice3A_87 = vector.extract_strided_slice %div3A_79 {offsets = [1, 0], sizes = [1, 1024], strides = [1, 1]} : vector<3x1024xf32> to vector<1x1024xf32>
    %sub3A_88 = vector.broadcast %slice3A_86 : vector<1024x1xf32> to vector<1024x1024xf32>
    %sub3A_89 = vector.broadcast %slice3A_87 : vector<1x1024xf32> to vector<1024x1024xf32>
    %sub3A_90 = arith.subf %sub3A_88, %sub3A_89 : vector<1024x1024xf32>
    %integer_pow3A_91 = arith.mulf %sub3A_90, %sub3A_90 : vector<1024x1024xf32>
    %add3A_92 = arith.addf %integer_pow3A_85, %integer_pow3A_91 : vector<1024x1024xf32>
    %slice3A_93 = vector.extract_strided_slice %get3A_59 {offsets = [0, 2], sizes = [1024, 1], strides = [1, 1]} : vector<1024x3xf32> to vector<1024x1xf32>
    %slice3A_94 = vector.extract_strided_slice %div3A_79 {offsets = [2, 0], sizes = [1, 1024], strides = [1, 1]} : vector<3x1024xf32> to vector<1x1024xf32>
    %sub3A_95 = vector.broadcast %slice3A_93 : vector<1024x1xf32> to vector<1024x1024xf32>
    %sub3A_96 = vector.broadcast %slice3A_94 : vector<1x1024xf32> to vector<1024x1024xf32>
    %sub3A_97 = arith.subf %sub3A_95, %sub3A_96 : vector<1024x1024xf32>
    %integer_pow3A_98 = arith.mulf %sub3A_97, %sub3A_97 : vector<1024x1024xf32>
    %add3A_99 = arith.addf %add3A_92, %integer_pow3A_98 : vector<1024x1024xf32>
    %mul3A_100 = arith.constant 5.000000e-01 : f32
    %mul3A_101 = vector.broadcast %mul3A_100 : f32 to vector<1024x1024xf32>
    %mul3A_102 = arith.mulf %add3A_99, %mul3A_101 : vector<1024x1024xf32>
    %broadcast_in_dim3A = arith.constant 0.000000e+00 : f32
    %broadcast_in_dim3A_103 = vector.broadcast %broadcast_in_dim3A : f32 to vector<1x1024xf32>
    %scan3A = arith.constant 2.500000e-05 : f32
    %scan3A_104 = arith.constant 0 : i32
    %scan3A_105 = arith.constant 20 : i32
    %scan3A_106 = arith.addi %scan3A_104, %scan3A_105 : i32
    %scan3A_107 = arith.constant 1 : i32
    %scan3A_108:2 = scf.for %scan3A_196 = %scan3A_104 to %scan3A_106 step %scan3A_107 iter_args(%scan3A_197 = %broadcast_in_dim3A_103, %scan3A_198 = %broadcast_in_dim3A_103) -> (vector<1x1024xf32>, vector<1x1024xf32>)  : i32 {
      %sub3A_199 = vector.broadcast %scan3A_197 : vector<1x1024xf32> to vector<1024x1024xf32>
      %sub3A_200 = arith.subf %sub3A_199, %mul3A_49 : vector<1024x1024xf32>
      %div3A_201 = vector.broadcast %scan3A : f32 to vector<1024x1024xf32>
      %div3A_202 = arith.divf %sub3A_200, %div3A_201 : vector<1024x1024xf32>
      %add3A_203 = vector.broadcast %neg3A_5 : f32 to vector<1024x1024xf32>
      %add3A_204 = arith.addf %div3A_202, %add3A_203 : vector<1024x1024xf32>
      %reduce_max3A_205 = arith.constant dense<0xFF800000> : vector<1024xf32>
      %reduce_max3A_206 = vector.multi_reduction <maximumf>, %add3A_204, %reduce_max3A_205 [1] : vector<1024x1024xf32> to vector<1024xf32>
      %broadcast_in_dim3A_207 = vector.shape_cast %reduce_max3A_206 : vector<1024xf32> to vector<1024x1xf32>
      %neg3A_208 = arith.constant 0.000000e+00 : f32
      %neg3A_209 = arith.subf %neg3A_208, %scan3A : f32
      %sub3A_210 = vector.broadcast %broadcast_in_dim3A_207 : vector<1024x1xf32> to vector<1024x1024xf32>
      %sub3A_211 = arith.subf %add3A_204, %sub3A_210 : vector<1024x1024xf32>
      %exp3A = math.exp %sub3A_211 : vector<1024x1024xf32>
      %reduce_sum3A_212 = arith.constant dense<0.000000e+00> : vector<1024xf32>
      %reduce_sum3A_213 = vector.multi_reduction <add>, %exp3A, %reduce_sum3A_212 [1] : vector<1024x1024xf32> to vector<1024xf32>
      %broadcast_in_dim3A_214 = vector.shape_cast %reduce_sum3A_213 : vector<1024xf32> to vector<1024x1xf32>
      %log3A_215 = math.log %broadcast_in_dim3A_214 : vector<1024x1xf32>
      %add3A_216 = arith.addf %log3A_215, %broadcast_in_dim3A_207 : vector<1024x1xf32>
      %mul3A_217 = vector.broadcast %neg3A_209 : f32 to vector<1024x1xf32>
      %mul3A_218 = arith.mulf %mul3A_217, %add3A_216 : vector<1024x1xf32>
      %sub3A_219 = vector.broadcast %mul3A_218 : vector<1024x1xf32> to vector<1024x1024xf32>
      %sub3A_220 = arith.subf %sub3A_219, %mul3A_49 : vector<1024x1024xf32>
      %div3A_221 = vector.broadcast %scan3A : f32 to vector<1024x1024xf32>
      %div3A_222 = arith.divf %sub3A_220, %div3A_221 : vector<1024x1024xf32>
      %add3A_223 = vector.broadcast %neg3A_1 : f32 to vector<1024x1024xf32>
      %add3A_224 = arith.addf %div3A_222, %add3A_223 : vector<1024x1024xf32>
      %reduce_max3A_225 = arith.constant dense<0xFF800000> : vector<1024xf32>
      %reduce_max3A_226 = vector.multi_reduction <maximumf>, %add3A_224, %reduce_max3A_225 [0] : vector<1024x1024xf32> to vector<1024xf32>
      %broadcast_in_dim3A_227 = vector.shape_cast %reduce_max3A_226 : vector<1024xf32> to vector<1x1024xf32>
      %neg3A_228 = arith.constant 0.000000e+00 : f32
      %neg3A_229 = arith.subf %neg3A_228, %scan3A : f32
      %sub3A_230 = vector.broadcast %broadcast_in_dim3A_227 : vector<1x1024xf32> to vector<1024x1024xf32>
      %sub3A_231 = arith.subf %add3A_224, %sub3A_230 : vector<1024x1024xf32>
      %exp3A_232 = math.exp %sub3A_231 : vector<1024x1024xf32>
      %reduce_sum3A_233 = arith.constant dense<0.000000e+00> : vector<1024xf32>
      %reduce_sum3A_234 = vector.multi_reduction <add>, %exp3A_232, %reduce_sum3A_233 [0] : vector<1024x1024xf32> to vector<1024xf32>
      %broadcast_in_dim3A_235 = vector.shape_cast %reduce_sum3A_234 : vector<1024xf32> to vector<1x1024xf32>
      %log3A_236 = math.log %broadcast_in_dim3A_235 : vector<1x1024xf32>
      %add3A_237 = arith.addf %log3A_236, %broadcast_in_dim3A_227 : vector<1x1024xf32>
      %mul3A_238 = vector.broadcast %neg3A_229 : f32 to vector<1x1024xf32>
      %mul3A_239 = arith.mulf %mul3A_238, %add3A_237 : vector<1x1024xf32>
      %sub3A_240 = vector.broadcast %scan3A_198 : vector<1x1024xf32> to vector<1024x1024xf32>
      %sub3A_241 = arith.subf %sub3A_240, %mul3A_102 : vector<1024x1024xf32>
      %div3A_242 = vector.broadcast %scan3A : f32 to vector<1024x1024xf32>
      %div3A_243 = arith.divf %sub3A_241, %div3A_242 : vector<1024x1024xf32>
      %add3A_244 = vector.broadcast %neg3A_5 : f32 to vector<1024x1024xf32>
      %add3A_245 = arith.addf %div3A_243, %add3A_244 : vector<1024x1024xf32>
      %reduce_max3A_246 = arith.constant dense<0xFF800000> : vector<1024xf32>
      %reduce_max3A_247 = vector.multi_reduction <maximumf>, %add3A_245, %reduce_max3A_246 [1] : vector<1024x1024xf32> to vector<1024xf32>
      %broadcast_in_dim3A_248 = vector.shape_cast %reduce_max3A_247 : vector<1024xf32> to vector<1024x1xf32>
      %neg3A_249 = arith.constant 0.000000e+00 : f32
      %neg3A_250 = arith.subf %neg3A_249, %scan3A : f32
      %sub3A_251 = vector.broadcast %broadcast_in_dim3A_248 : vector<1024x1xf32> to vector<1024x1024xf32>
      %sub3A_252 = arith.subf %add3A_245, %sub3A_251 : vector<1024x1024xf32>
      %exp3A_253 = math.exp %sub3A_252 : vector<1024x1024xf32>
      %reduce_sum3A_254 = arith.constant dense<0.000000e+00> : vector<1024xf32>
      %reduce_sum3A_255 = vector.multi_reduction <add>, %exp3A_253, %reduce_sum3A_254 [1] : vector<1024x1024xf32> to vector<1024xf32>
      %broadcast_in_dim3A_256 = vector.shape_cast %reduce_sum3A_255 : vector<1024xf32> to vector<1024x1xf32>
      %log3A_257 = math.log %broadcast_in_dim3A_256 : vector<1024x1xf32>
      %add3A_258 = arith.addf %log3A_257, %broadcast_in_dim3A_248 : vector<1024x1xf32>
      %mul3A_259 = vector.broadcast %neg3A_250 : f32 to vector<1024x1xf32>
      %mul3A_260 = arith.mulf %mul3A_259, %add3A_258 : vector<1024x1xf32>
      %sub3A_261 = vector.broadcast %mul3A_260 : vector<1024x1xf32> to vector<1024x1024xf32>
      %sub3A_262 = arith.subf %sub3A_261, %mul3A_102 : vector<1024x1024xf32>
      %div3A_263 = vector.broadcast %scan3A : f32 to vector<1024x1024xf32>
      %div3A_264 = arith.divf %sub3A_262, %div3A_263 : vector<1024x1024xf32>
      %add3A_265 = vector.broadcast %neg3A_1 : f32 to vector<1024x1024xf32>
      %add3A_266 = arith.addf %div3A_264, %add3A_265 : vector<1024x1024xf32>
      %reduce_max3A_267 = arith.constant dense<0xFF800000> : vector<1024xf32>
      %reduce_max3A_268 = vector.multi_reduction <maximumf>, %add3A_266, %reduce_max3A_267 [0] : vector<1024x1024xf32> to vector<1024xf32>
      %broadcast_in_dim3A_269 = vector.shape_cast %reduce_max3A_268 : vector<1024xf32> to vector<1x1024xf32>
      %neg3A_270 = arith.constant 0.000000e+00 : f32
      %neg3A_271 = arith.subf %neg3A_270, %scan3A : f32
      %sub3A_272 = vector.broadcast %broadcast_in_dim3A_269 : vector<1x1024xf32> to vector<1024x1024xf32>
      %sub3A_273 = arith.subf %add3A_266, %sub3A_272 : vector<1024x1024xf32>
      %exp3A_274 = math.exp %sub3A_273 : vector<1024x1024xf32>
      %reduce_sum3A_275 = arith.constant dense<0.000000e+00> : vector<1024xf32>
      %reduce_sum3A_276 = vector.multi_reduction <add>, %exp3A_274, %reduce_sum3A_275 [0] : vector<1024x1024xf32> to vector<1024xf32>
      %broadcast_in_dim3A_277 = vector.shape_cast %reduce_sum3A_276 : vector<1024xf32> to vector<1x1024xf32>
      %log3A_278 = math.log %broadcast_in_dim3A_277 : vector<1x1024xf32>
      %add3A_279 = arith.addf %log3A_278, %broadcast_in_dim3A_269 : vector<1x1024xf32>
      %mul3A_280 = vector.broadcast %neg3A_271 : f32 to vector<1x1024xf32>
      %mul3A_281 = arith.mulf %mul3A_280, %add3A_279 : vector<1x1024xf32>
      scf.yield %mul3A_239, %mul3A_281 : vector<1x1024xf32>, vector<1x1024xf32>
    }
    %neg3A_109 = arith.constant 0.000000e+00 : f32
    %neg3A_110 = vector.broadcast %neg3A_109 : f32 to vector<1x1024xf32>
    %neg3A_111 = arith.subf %neg3A_110, %scan3A_108#0 : vector<1x1024xf32>
    %neg3A_112 = arith.constant 0.000000e+00 : f32
    %neg3A_113 = vector.broadcast %neg3A_112 : f32 to vector<1x1024xf32>
    %neg3A_114 = arith.subf %neg3A_113, %scan3A_108#1 : vector<1x1024xf32>
    %scan3A_115 = arith.constant 1.024000e+03 : f32
    %scan3A_116 = arith.constant 0xFF800000 : f32
    %scan3A_117 = arith.constant 0 : i32
    %scan3A_118 = arith.constant 4 : i32
    %scan3A_119 = arith.addi %scan3A_117, %scan3A_118 : i32
    %scan3A_120 = arith.constant 1 : i32
    %scan3A_121:2 = scf.for %scan3A_196 = %scan3A_117 to %scan3A_119 step %scan3A_120 iter_args(%scan3A_197 = %neg3A_111, %scan3A_198 = %neg3A_114) -> (vector<1x1024xf32>, vector<1x1024xf32>)  : i32 {
      %add3A_199 = vector.broadcast %scan3A_197 : vector<1x1024xf32> to vector<1024x1024xf32>
      %add3A_200 = arith.addf %add3A_47, %add3A_199 : vector<1024x1024xf32>
      %reduce_max3A_201 = arith.constant dense<0xFF800000> : vector<1024xf32>
      %reduce_max3A_202 = vector.multi_reduction <maximumf>, %add3A_200, %reduce_max3A_201 [1] : vector<1024x1024xf32> to vector<1024xf32>
      %broadcast_in_dim3A_203 = vector.shape_cast %reduce_max3A_202 : vector<1024xf32> to vector<1024x1xf32>
      %eq3A_204 = vector.broadcast %broadcast_in_dim3A_203 : vector<1024x1xf32> to vector<1024x1024xf32>
      %eq3A_205 = arith.cmpf oeq, %add3A_200, %eq3A_204 : vector<1024x1024xf32>
      %broadcast_in_dim3A_206 = vector.broadcast %scan3A_115 : f32 to vector<1024x1024xf32>
      %select_n3A_207 = arith.select %eq3A_205, %convert_element_type3A, %broadcast_in_dim3A_206 : vector<1024x1024xi1>, vector<1024x1024xf32>
      %reduce_min3A_208 = arith.constant dense<0x7F800000> : vector<1024xf32>
      %reduce_min3A_209 = vector.multi_reduction <minimumf>, %select_n3A_207, %reduce_min3A_208 [1] : vector<1024x1024xf32> to vector<1024xf32>
      %broadcast_in_dim3A_210 = vector.shape_cast %reduce_min3A_209 : vector<1024xf32> to vector<1024x1xf32>
      %eq3A_211 = vector.broadcast %broadcast_in_dim3A_210 : vector<1024x1xf32> to vector<1024x1024xf32>
      %eq3A_212 = arith.cmpf oeq, %convert_element_type3A, %eq3A_211 : vector<1024x1024xf32>
      %broadcast_in_dim3A_213 = vector.broadcast %scan3A_116 : f32 to vector<1024x1024xf32>
      %select_n3A_214 = arith.select %eq3A_212, %broadcast_in_dim3A_213, %add3A_200 : vector<1024x1024xi1>, vector<1024x1024xf32>
      %reduce_max3A_215 = arith.constant dense<0xFF800000> : vector<1024xf32>
      %reduce_max3A_216 = vector.multi_reduction <maximumf>, %select_n3A_214, %reduce_max3A_215 [1] : vector<1024x1024xf32> to vector<1024xf32>
      %broadcast_in_dim3A_217 = vector.shape_cast %reduce_max3A_216 : vector<1024xf32> to vector<1024x1xf32>
      %sub3A_218 = arith.subf %broadcast_in_dim3A_217, %broadcast_in_dim3A_203 : vector<1024x1xf32>
      %add3A_219 = arith.constant 1.000000e-03 : f32
      %add3A_220 = vector.broadcast %add3A_219 : f32 to vector<1024x1xf32>
      %add3A_221 = arith.addf %sub3A_218, %add3A_220 : vector<1024x1xf32>
      %broadcast_in_dim3A_222 = vector.shape_cast %add3A_221 : vector<1024x1xf32> to vector<1024x1xf32>
      %broadcast_in_dim3A_223 = vector.broadcast %broadcast_in_dim3A_222 : vector<1024x1xf32> to vector<1024x1024xf32>
      %broadcast_in_dim3A_224 = vector.broadcast %scan3A_116 : f32 to vector<1024x1024xf32>
      %select_n3A_225 = arith.select %eq3A_212, %broadcast_in_dim3A_223, %broadcast_in_dim3A_224 : vector<1024x1024xi1>, vector<1024x1024xf32>
      %reduce_max3A_226 = arith.constant dense<0xFF800000> : vector<1024xf32>
      %reduce_max3A_227 = vector.multi_reduction <maximumf>, %select_n3A_225, %reduce_max3A_226 [0] : vector<1024x1024xf32> to vector<1024xf32>
      %broadcast_in_dim3A_228 = vector.shape_cast %reduce_max3A_227 : vector<1024xf32> to vector<1x1024xf32>
      %ne3A = vector.broadcast %scan3A_116 : f32 to vector<1x1024xf32>
      %ne3A_229 = arith.cmpf one, %broadcast_in_dim3A_228, %ne3A : vector<1x1024xf32>
      %select_n3A_230 = arith.select %ne3A_229, %broadcast_in_dim3A_228, %scan3A_197 : vector<1x1024xi1>, vector<1x1024xf32>
      %add3A_231 = vector.broadcast %scan3A_198 : vector<1x1024xf32> to vector<1024x1024xf32>
      %add3A_232 = arith.addf %add3A_99, %add3A_231 : vector<1024x1024xf32>
      %reduce_max3A_233 = arith.constant dense<0xFF800000> : vector<1024xf32>
      %reduce_max3A_234 = vector.multi_reduction <maximumf>, %add3A_232, %reduce_max3A_233 [1] : vector<1024x1024xf32> to vector<1024xf32>
      %broadcast_in_dim3A_235 = vector.shape_cast %reduce_max3A_234 : vector<1024xf32> to vector<1024x1xf32>
      %eq3A_236 = vector.broadcast %broadcast_in_dim3A_235 : vector<1024x1xf32> to vector<1024x1024xf32>
      %eq3A_237 = arith.cmpf oeq, %add3A_232, %eq3A_236 : vector<1024x1024xf32>
      %broadcast_in_dim3A_238 = vector.broadcast %scan3A_115 : f32 to vector<1024x1024xf32>
      %select_n3A_239 = arith.select %eq3A_237, %convert_element_type3A, %broadcast_in_dim3A_238 : vector<1024x1024xi1>, vector<1024x1024xf32>
      %reduce_min3A_240 = arith.constant dense<0x7F800000> : vector<1024xf32>
      %reduce_min3A_241 = vector.multi_reduction <minimumf>, %select_n3A_239, %reduce_min3A_240 [1] : vector<1024x1024xf32> to vector<1024xf32>
      %broadcast_in_dim3A_242 = vector.shape_cast %reduce_min3A_241 : vector<1024xf32> to vector<1024x1xf32>
      %eq3A_243 = vector.broadcast %broadcast_in_dim3A_242 : vector<1024x1xf32> to vector<1024x1024xf32>
      %eq3A_244 = arith.cmpf oeq, %convert_element_type3A, %eq3A_243 : vector<1024x1024xf32>
      %broadcast_in_dim3A_245 = vector.broadcast %scan3A_116 : f32 to vector<1024x1024xf32>
      %select_n3A_246 = arith.select %eq3A_244, %broadcast_in_dim3A_245, %add3A_232 : vector<1024x1024xi1>, vector<1024x1024xf32>
      %reduce_max3A_247 = arith.constant dense<0xFF800000> : vector<1024xf32>
      %reduce_max3A_248 = vector.multi_reduction <maximumf>, %select_n3A_246, %reduce_max3A_247 [1] : vector<1024x1024xf32> to vector<1024xf32>
      %broadcast_in_dim3A_249 = vector.shape_cast %reduce_max3A_248 : vector<1024xf32> to vector<1024x1xf32>
      %sub3A_250 = arith.subf %broadcast_in_dim3A_249, %broadcast_in_dim3A_235 : vector<1024x1xf32>
      %add3A_251 = arith.constant 1.000000e-03 : f32
      %add3A_252 = vector.broadcast %add3A_251 : f32 to vector<1024x1xf32>
      %add3A_253 = arith.addf %sub3A_250, %add3A_252 : vector<1024x1xf32>
      %broadcast_in_dim3A_254 = vector.shape_cast %add3A_253 : vector<1024x1xf32> to vector<1024x1xf32>
      %broadcast_in_dim3A_255 = vector.broadcast %broadcast_in_dim3A_254 : vector<1024x1xf32> to vector<1024x1024xf32>
      %broadcast_in_dim3A_256 = vector.broadcast %scan3A_116 : f32 to vector<1024x1024xf32>
      %select_n3A_257 = arith.select %eq3A_244, %broadcast_in_dim3A_255, %broadcast_in_dim3A_256 : vector<1024x1024xi1>, vector<1024x1024xf32>
      %reduce_max3A_258 = arith.constant dense<0xFF800000> : vector<1024xf32>
      %reduce_max3A_259 = vector.multi_reduction <maximumf>, %select_n3A_257, %reduce_max3A_258 [0] : vector<1024x1024xf32> to vector<1024xf32>
      %broadcast_in_dim3A_260 = vector.shape_cast %reduce_max3A_259 : vector<1024xf32> to vector<1x1024xf32>
      %ne3A_261 = vector.broadcast %scan3A_116 : f32 to vector<1x1024xf32>
      %ne3A_262 = arith.cmpf one, %broadcast_in_dim3A_260, %ne3A_261 : vector<1x1024xf32>
      %select_n3A_263 = arith.select %ne3A_262, %broadcast_in_dim3A_260, %scan3A_198 : vector<1x1024xi1>, vector<1x1024xf32>
      scf.yield %select_n3A_230, %select_n3A_263 : vector<1x1024xf32>, vector<1x1024xf32>
    }
    %add3A_122 = vector.broadcast %scan3A_121#0 : vector<1x1024xf32> to vector<1024x1024xf32>
    %add3A_123 = arith.addf %add3A_47, %add3A_122 : vector<1024x1024xf32>
    %reduce_max3A = arith.constant dense<0xFF800000> : vector<1024xf32>
    %reduce_max3A_124 = vector.multi_reduction <maximumf>, %add3A_123, %reduce_max3A [1] : vector<1024x1024xf32> to vector<1024xf32>
    %broadcast_in_dim3A_125 = vector.shape_cast %reduce_max3A_124 : vector<1024xf32> to vector<1024x1xf32>
    %eq3A = vector.broadcast %broadcast_in_dim3A_125 : vector<1024x1xf32> to vector<1024x1024xf32>
    %eq3A_126 = arith.cmpf oeq, %add3A_123, %eq3A : vector<1024x1024xf32>
    %jit3A = arith.constant 1.024000e+03 : f32
    %broadcast_in_dim3A_127 = vector.broadcast %jit3A : f32 to vector<1024x1024xf32>
    %select_n3A = arith.select %eq3A_126, %convert_element_type3A, %broadcast_in_dim3A_127 : vector<1024x1024xi1>, vector<1024x1024xf32>
    %reduce_min3A = arith.constant dense<0x7F800000> : vector<1024xf32>
    %reduce_min3A_128 = vector.multi_reduction <minimumf>, %select_n3A, %reduce_min3A [1] : vector<1024x1024xf32> to vector<1024xf32>
    %broadcast_in_dim3A_129 = vector.shape_cast %reduce_min3A_128 : vector<1024xf32> to vector<1024x1xf32>
    %add3A_130 = vector.broadcast %scan3A_121#1 : vector<1x1024xf32> to vector<1024x1024xf32>
    %add3A_131 = arith.addf %add3A_99, %add3A_130 : vector<1024x1024xf32>
    %reduce_max3A_132 = arith.constant dense<0xFF800000> : vector<1024xf32>
    %reduce_max3A_133 = vector.multi_reduction <maximumf>, %add3A_131, %reduce_max3A_132 [1] : vector<1024x1024xf32> to vector<1024xf32>
    %broadcast_in_dim3A_134 = vector.shape_cast %reduce_max3A_133 : vector<1024xf32> to vector<1024x1xf32>
    %eq3A_135 = vector.broadcast %broadcast_in_dim3A_134 : vector<1024x1xf32> to vector<1024x1024xf32>
    %eq3A_136 = arith.cmpf oeq, %add3A_131, %eq3A_135 : vector<1024x1024xf32>
    %jit3A_137 = arith.constant 1.024000e+03 : f32
    %broadcast_in_dim3A_138 = vector.broadcast %jit3A_137 : f32 to vector<1024x1024xf32>
    %select_n3A_139 = arith.select %eq3A_136, %convert_element_type3A, %broadcast_in_dim3A_138 : vector<1024x1024xi1>, vector<1024x1024xf32>
    %reduce_min3A_140 = arith.constant dense<0x7F800000> : vector<1024xf32>
    %reduce_min3A_141 = vector.multi_reduction <minimumf>, %select_n3A_139, %reduce_min3A_140 [1] : vector<1024x1024xf32> to vector<1024xf32>
    %broadcast_in_dim3A_142 = vector.shape_cast %reduce_min3A_141 : vector<1024xf32> to vector<1024x1xf32>
    %mul3A_143 = arith.constant 2 : i32
    %mul3A_144 = arith.muli %mul3A_143, %arg0 : i32
    %mul3A_145 = arith.constant 1024 : i32
    %mul3A_146 = arith.muli %mul3A_144, %mul3A_145 : i32
    %convert_element_type3A_147 = arith.fptosi %broadcast_in_dim3A_129 : vector<1024x1xf32> to vector<1024x1xi32>
    %add3A_148 = vector.broadcast %mul3A_146 : i32 to vector<1024x1xi32>
    %add3A_149 = arith.addi %convert_element_type3A_147, %add3A_148 : vector<1024x1xi32>
    %transpose3A = tpu.transpose %add3A_149, [1, 0] : vector<1024x1xi32> -> vector<1x1024xi32>
    %swap3A = arith.constant 0 : index
    %swap3A_150 = arith.constant 0 : index
    %swap3A_151 = arith.constant 0 : index
    %swap3A_152 = vector.load %arg4[%swap3A, %swap3A_150, %swap3A_151] : memref<2x1x1024xi32, #tpu.memory_space<vmem>>, vector<1x1x1024xi32>
    %swap3A_153 = vector.shape_cast %swap3A_152 : vector<1x1x1024xi32> to vector<1x1024xi32>
    %swap3A_154 = vector.shape_cast %transpose3A : vector<1x1024xi32> to vector<1x1x1024xi32>
    tpu.vector_store %arg4[%swap3A, %swap3A_150, %swap3A_151], %swap3A_154 {strides = array<i32>} : memref<2x1x1024xi32, #tpu.memory_space<vmem>>, vector<1x1x1024xi32>,
    %convert_element_type3A_155 = arith.fptosi %broadcast_in_dim3A_142 : vector<1024x1xf32> to vector<1024x1xi32>
    %add3A_156 = arith.constant 1024 : i32
    %add3A_157 = arith.addi %mul3A_146, %add3A_156 : i32
    %add3A_158 = vector.broadcast %add3A_157 : i32 to vector<1024x1xi32>
    %add3A_159 = arith.addi %convert_element_type3A_155, %add3A_158 : vector<1024x1xi32>
    %transpose3A_160 = tpu.transpose %add3A_159, [1, 0] : vector<1024x1xi32> -> vector<1x1024xi32>
    %swap3A_161 = arith.constant 1 : index
    %swap3A_162 = arith.constant 0 : index
    %swap3A_163 = arith.constant 0 : index
    %swap3A_164 = vector.load %arg4[%swap3A_161, %swap3A_162, %swap3A_163] : memref<2x1x1024xi32, #tpu.memory_space<vmem>>, vector<1x1x1024xi32>
    %swap3A_165 = vector.shape_cast %swap3A_164 : vector<1x1x1024xi32> to vector<1x1024xi32>
    %swap3A_166 = vector.shape_cast %transpose3A_160 : vector<1x1024xi32> to vector<1x1x1024xi32>
    tpu.vector_store %arg4[%swap3A_161, %swap3A_162, %swap3A_163], %swap3A_166 {strides = array<i32>} : memref<2x1x1024xi32, #tpu.memory_space<vmem>>, vector<1x1x1024xi32>,
    %broadcast_in_dim3A_167 = arith.constant 0.000000e+00 : f32
    %broadcast_in_dim3A_168 = vector.broadcast %broadcast_in_dim3A_167 : f32 to vector<1024x125xf32>
    %get3A_169 = arith.constant 0 : index
    %get3A_170 = arith.constant 0 : index
    %get3A_171 = arith.constant 0 : index
    %get3A_172 = vector.load %arg2[%get3A_169, %get3A_170, %get3A_171] : memref<2x1024x3xf32, #tpu.memory_space<vmem>>, vector<1x1024x3xf32>
    %get3A_173 = vector.shape_cast %get3A_172 : vector<1x1024x3xf32> to vector<1024x3xf32>
    %div3A_174 = vector.broadcast %sqrt3A : f32 to vector<1024x3xf32>
    %div3A_175 = arith.divf %get3A_173, %div3A_174 : vector<1024x3xf32>
    %concatenate3A = tpu.concatenate %div3A_175, %broadcast_in_dim3A_168 in 1 : vector<1024x3xf32>, vector<1024x125xf32> -> vector<1024x128xf32>
    %swap3A_176 = arith.constant 0 : index
    %swap3A_177 = arith.constant 0 : index
    %swap3A_178 = arith.constant 0 : index
    %swap3A_179 = vector.load %arg5[%swap3A_176, %swap3A_177, %swap3A_178] : memref<2x1024x128xf32, #tpu.memory_space<vmem>>, vector<1x1024x128xf32>
    %swap3A_180 = vector.shape_cast %swap3A_179 : vector<1x1024x128xf32> to vector<1024x128xf32>
    %swap3A_181 = vector.shape_cast %concatenate3A : vector<1024x128xf32> to vector<1x1024x128xf32>
    tpu.vector_store %arg5[%swap3A_176, %swap3A_177, %swap3A_178], %swap3A_181 {strides = array<i32>} : memref<2x1024x128xf32, #tpu.memory_space<vmem>>, vector<1x1024x128xf32>,
    %get3A_182 = arith.constant 1 : index
    %get3A_183 = arith.constant 0 : index
    %get3A_184 = arith.constant 0 : index
    %get3A_185 = vector.load %arg2[%get3A_182, %get3A_183, %get3A_184] : memref<2x1024x3xf32, #tpu.memory_space<vmem>>, vector<1x1024x3xf32>
    %get3A_186 = vector.shape_cast %get3A_185 : vector<1x1024x3xf32> to vector<1024x3xf32>
    %div3A_187 = vector.broadcast %sqrt3A_77 : f32 to vector<1024x3xf32>
    %div3A_188 = arith.divf %get3A_186, %div3A_187 : vector<1024x3xf32>
    %concatenate3A_189 = tpu.concatenate %div3A_188, %broadcast_in_dim3A_168 in 1 : vector<1024x3xf32>, vector<1024x125xf32> -> vector<1024x128xf32>
    %swap3A_190 = arith.constant 1 : index
    %swap3A_191 = arith.constant 0 : index
    %swap3A_192 = arith.constant 0 : index
    %swap3A_193 = vector.load %arg5[%swap3A_190, %swap3A_191, %swap3A_192] : memref<2x1024x128xf32, #tpu.memory_space<vmem>>, vector<1x1024x128xf32>
    %swap3A_194 = vector.shape_cast %swap3A_193 : vector<1x1024x128xf32> to vector<1024x128xf32>
    %swap3A_195 = vector.shape_cast %concatenate3A_189 : vector<1024x128xf32> to vector<1x1024x128xf32>
    tpu.vector_store %arg5[%swap3A_190, %swap3A_191, %swap3A_192], %swap3A_195 {strides = array<i32>} : memref<2x1024x128xf32, #tpu.memory_space<vmem>>, vector<1x1024x128xf32>,
    return
  }
  func.func @transform_0(%arg0: i32) -> (i32, i32, i32) {
    %c0_i32 = arith.constant 0 : i32
    %c0_i32_0 = arith.constant 0 : i32
    %c0_i32_1 = arith.constant 0 : i32
    return %arg0, %c0_i32, %c0_i32_0 : i32, i32, i32
  }
  func.func @transform_1(%arg0: i32) -> (i32, i32, i32) {
    %c0_i32 = arith.constant 0 : i32
    %c0_i32_0 = arith.constant 0 : i32
    %c0_i32_1 = arith.constant 0 : i32
    return %arg0, %c0_i32, %c0_i32_0 : i32, i32, i32
  }
  func.func @transform_2(%arg0: i32) -> (i32, i32, i32) {
    %c0_i32 = arith.constant 0 : i32
    %c0_i32_0 = arith.constant 0 : i32
    %c0_i32_1 = arith.constant 0 : i32
    return %arg0, %c0_i32, %c0_i32_0 : i32, i32, i32
  }
  func.func @transform_3(%arg0: i32) -> (i32, i32, i32) {
    %c0_i32 = arith.constant 0 : i32
    %c0_i32_0 = arith.constant 0 : i32
    %c0_i32_1 = arith.constant 0 : i32
    return %arg0, %c0_i32, %c0_i32_0 : i32, i32, i32
  }
  func.func @transform_4(%arg0: i32) -> (i32, i32, i32) {
    %c0_i32 = arith.constant 0 : i32
    %c0_i32_0 = arith.constant 0 : i32
    %c0_i32_1 = arith.constant 0 : i32
    return %arg0, %c0_i32, %c0_i32_0 : i32, i32, i32
  }
}

module attributes {stable_mosaic.version = 14 : i64} {
  func.func @_mlp_kernel(%arg0: i32, %arg1: memref<1x1024x128xf32, #tpu.memory_space<vmem>>, %arg2: memref<1x1024x3xf32, #tpu.memory_space<vmem>>, %arg3: memref<1x1x1xf32, #tpu.memory_space<vmem>>, %arg4: memref<4x256xf32, #tpu.memory_space<vmem>>, %arg5: memref<1x256xf32, #tpu.memory_space<vmem>>, %arg6: memref<3x256xf32, #tpu.memory_space<vmem>>, %arg7: memref<1x3xf32, #tpu.memory_space<vmem>>, %arg8: memref<1x1024x3xf32, #tpu.memory_space<vmem>>, %arg9: memref<1x1024x3xf32, #tpu.memory_space<vmem>>) attributes {dimension_semantics = [#tpu.dimension_semantics<parallel>], iteration_bounds = array<i64: 8>, scalar_prefetch = 0 : i64, scratch_operands = 0 : i64, tpu.core_type = #tpu.core_type<tc>, window_params = [{transform_indices = @transform_0, window_bounds = array<i64: 1, 1024, 128>}, {transform_indices = @transform_1, window_bounds = array<i64: 1, 1024, 3>}, {transform_indices = @transform_2, window_bounds = array<i64: 1, 1, 1>}, {pipeline_mode = #tpu.pipeline_mode<synchronous>, transform_indices = @transform_3, window_bounds = array<i64: 4, 256>}, {pipeline_mode = #tpu.pipeline_mode<synchronous>, transform_indices = @transform_4, window_bounds = array<i64: 1, 256>}, {pipeline_mode = #tpu.pipeline_mode<synchronous>, transform_indices = @transform_5, window_bounds = array<i64: 3, 256>}, {pipeline_mode = #tpu.pipeline_mode<synchronous>, transform_indices = @transform_6, window_bounds = array<i64: 1, 3>}, {transform_indices = @transform_7, window_bounds = array<i64: 1, 1024, 3>}, {transform_indices = @transform_8, window_bounds = array<i64: 1, 1024, 3>}]} {
    %get3A = arith.constant 0 : index
    %get3A_0 = arith.constant 0 : index
    %get3A_1 = arith.constant 0 : index
    %get3A_2 = vector.load %arg1[%get3A, %get3A_0, %get3A_1] : memref<1x1024x128xf32, #tpu.memory_space<vmem>>, vector<1x1024x128xf32>
    %get3A_3 = vector.shape_cast %get3A_2 : vector<1x1024x128xf32> to vector<1024x128xf32>
    %slice3A = vector.extract_strided_slice %get3A_3 {offsets = [0, 0], sizes = [1024, 3], strides = [1, 1]} : vector<1024x128xf32> to vector<1024x3xf32>
    %get3A_4 = arith.constant 0 : index
    %get3A_5 = arith.constant 0 : index
    %get3A_6 = arith.constant 0 : index
    %get3A_7 = vector.load %arg2[%get3A_4, %get3A_5, %get3A_6] : memref<1x1024x3xf32, #tpu.memory_space<vmem>>, vector<1x1024x3xf32>
    %get3A_8 = vector.shape_cast %get3A_7 : vector<1x1024x3xf32> to vector<1024x3xf32>
    %get3A_9 = arith.constant 0 : index
    %get3A_10 = arith.constant 0 : index
    %get3A_11 = arith.constant 0 : index
    %get3A_12 = vector.load %arg3[%get3A_9, %get3A_10, %get3A_11] : memref<1x1x1xf32, #tpu.memory_space<vmem>>, vector<1x1x1xf32>
    %get3A_13 = vector.extract %get3A_12[0, 0, 0] : f32 from vector<1x1x1xf32>
    %sub3A = arith.constant 1.000000e+00 : f32
    %sub3A_14 = arith.subf %sub3A, %get3A_13 : f32
    %mul3A = vector.broadcast %sub3A_14 : f32 to vector<1024x3xf32>
    %mul3A_15 = arith.mulf %mul3A, %slice3A : vector<1024x3xf32>
    %mul3A_16 = vector.broadcast %get3A_13 : f32 to vector<1024x3xf32>
    %mul3A_17 = arith.mulf %mul3A_16, %get3A_8 : vector<1024x3xf32>
    %add3A = arith.addf %mul3A_15, %mul3A_17 : vector<1024x3xf32>
    %sub3A_18 = arith.subf %get3A_8, %slice3A : vector<1024x3xf32>
    %get3A_19 = arith.constant 0 : index
    %get3A_20 = arith.constant 0 : index
    %get3A_21 = vector.load %arg4[%get3A_19, %get3A_20] : memref<4x256xf32, #tpu.memory_space<vmem>>, vector<4x256xf32>
    %get3A_22 = arith.constant 0 : index
    %get3A_23 = arith.constant 0 : index
    %get3A_24 = vector.load %arg5[%get3A_22, %get3A_23] : memref<1x256xf32, #tpu.memory_space<vmem>>, vector<1x256xf32>
    %get3A_25 = arith.constant 0 : index
    %get3A_26 = arith.constant 0 : index
    %get3A_27 = vector.load %arg6[%get3A_25, %get3A_26] : memref<3x256xf32, #tpu.memory_space<vmem>>, vector<3x256xf32>
    %get3A_28 = arith.constant 0 : index
    %get3A_29 = arith.constant 0 : index
    %get3A_30 = vector.load %arg7[%get3A_28, %get3A_29] : memref<1x3xf32, #tpu.memory_space<vmem>>, vector<1x3xf32>
    %slice3A_31 = vector.extract_strided_slice %add3A {offsets = [0, 0], sizes = [1024, 1], strides = [1, 1]} : vector<1024x3xf32> to vector<1024x1xf32>
    %slice3A_32 = vector.extract_strided_slice %get3A_21 {offsets = [0, 0], sizes = [1, 256], strides = [1, 1]} : vector<4x256xf32> to vector<1x256xf32>
    %mul3A_33 = vector.broadcast %slice3A_31 : vector<1024x1xf32> to vector<1024x256xf32>
    %mul3A_34 = vector.broadcast %slice3A_32 : vector<1x256xf32> to vector<1024x256xf32>
    %mul3A_35 = arith.mulf %mul3A_33, %mul3A_34 : vector<1024x256xf32>
    %slice3A_36 = vector.extract_strided_slice %add3A {offsets = [0, 1], sizes = [1024, 1], strides = [1, 1]} : vector<1024x3xf32> to vector<1024x1xf32>
    %slice3A_37 = vector.extract_strided_slice %get3A_21 {offsets = [1, 0], sizes = [1, 256], strides = [1, 1]} : vector<4x256xf32> to vector<1x256xf32>
    %mul3A_38 = vector.broadcast %slice3A_36 : vector<1024x1xf32> to vector<1024x256xf32>
    %mul3A_39 = vector.broadcast %slice3A_37 : vector<1x256xf32> to vector<1024x256xf32>
    %mul3A_40 = arith.mulf %mul3A_38, %mul3A_39 : vector<1024x256xf32>
    %add3A_41 = arith.addf %mul3A_35, %mul3A_40 : vector<1024x256xf32>
    %slice3A_42 = vector.extract_strided_slice %add3A {offsets = [0, 2], sizes = [1024, 1], strides = [1, 1]} : vector<1024x3xf32> to vector<1024x1xf32>
    %slice3A_43 = vector.extract_strided_slice %get3A_21 {offsets = [2, 0], sizes = [1, 256], strides = [1, 1]} : vector<4x256xf32> to vector<1x256xf32>
    %mul3A_44 = vector.broadcast %slice3A_42 : vector<1024x1xf32> to vector<1024x256xf32>
    %mul3A_45 = vector.broadcast %slice3A_43 : vector<1x256xf32> to vector<1024x256xf32>
    %mul3A_46 = arith.mulf %mul3A_44, %mul3A_45 : vector<1024x256xf32>
    %add3A_47 = arith.addf %add3A_41, %mul3A_46 : vector<1024x256xf32>
    %slice3A_48 = vector.extract_strided_slice %get3A_21 {offsets = [3, 0], sizes = [1, 256], strides = [1, 1]} : vector<4x256xf32> to vector<1x256xf32>
    %mul3A_49 = vector.broadcast %get3A_13 : f32 to vector<1x256xf32>
    %mul3A_50 = arith.mulf %mul3A_49, %slice3A_48 : vector<1x256xf32>
    %add3A_51 = vector.broadcast %mul3A_50 : vector<1x256xf32> to vector<1024x256xf32>
    %add3A_52 = arith.addf %add3A_47, %add3A_51 : vector<1024x256xf32>
    %add3A_53 = vector.broadcast %get3A_24 : vector<1x256xf32> to vector<1024x256xf32>
    %add3A_54 = arith.addf %add3A_52, %add3A_53 : vector<1024x256xf32>
    %tanh3A = math.tanh %add3A_54 : vector<1024x256xf32>
    %slice3A_55 = vector.extract_strided_slice %get3A_27 {offsets = [0, 0], sizes = [1, 256], strides = [1, 1]} : vector<3x256xf32> to vector<1x256xf32>
    %mul3A_56 = vector.broadcast %slice3A_55 : vector<1x256xf32> to vector<1024x256xf32>
    %mul3A_57 = arith.mulf %tanh3A, %mul3A_56 : vector<1024x256xf32>
    %reduce_sum3A = arith.constant dense<0.000000e+00> : vector<1024xf32>
    %reduce_sum3A_58 = vector.multi_reduction <add>, %mul3A_57, %reduce_sum3A [1] : vector<1024x256xf32> to vector<1024xf32>
    %broadcast_in_dim3A = vector.shape_cast %reduce_sum3A_58 : vector<1024xf32> to vector<1024x1xf32>
    %slice3A_59 = vector.extract_strided_slice %get3A_27 {offsets = [1, 0], sizes = [1, 256], strides = [1, 1]} : vector<3x256xf32> to vector<1x256xf32>
    %mul3A_60 = vector.broadcast %slice3A_59 : vector<1x256xf32> to vector<1024x256xf32>
    %mul3A_61 = arith.mulf %tanh3A, %mul3A_60 : vector<1024x256xf32>
    %reduce_sum3A_62 = arith.constant dense<0.000000e+00> : vector<1024xf32>
    %reduce_sum3A_63 = vector.multi_reduction <add>, %mul3A_61, %reduce_sum3A_62 [1] : vector<1024x256xf32> to vector<1024xf32>
    %broadcast_in_dim3A_64 = vector.shape_cast %reduce_sum3A_63 : vector<1024xf32> to vector<1024x1xf32>
    %slice3A_65 = vector.extract_strided_slice %get3A_27 {offsets = [2, 0], sizes = [1, 256], strides = [1, 1]} : vector<3x256xf32> to vector<1x256xf32>
    %mul3A_66 = vector.broadcast %slice3A_65 : vector<1x256xf32> to vector<1024x256xf32>
    %mul3A_67 = arith.mulf %tanh3A, %mul3A_66 : vector<1024x256xf32>
    %reduce_sum3A_68 = arith.constant dense<0.000000e+00> : vector<1024xf32>
    %reduce_sum3A_69 = vector.multi_reduction <add>, %mul3A_67, %reduce_sum3A_68 [1] : vector<1024x256xf32> to vector<1024xf32>
    %broadcast_in_dim3A_70 = vector.shape_cast %reduce_sum3A_69 : vector<1024xf32> to vector<1024x1xf32>
    %concatenate3A = tpu.concatenate %broadcast_in_dim3A, %broadcast_in_dim3A_64, %broadcast_in_dim3A_70 in 1 : vector<1024x1xf32>, vector<1024x1xf32>, vector<1024x1xf32> -> vector<1024x3xf32>
    %add3A_71 = vector.broadcast %get3A_30 : vector<1x3xf32> to vector<1024x3xf32>
    %add3A_72 = arith.addf %concatenate3A, %add3A_71 : vector<1024x3xf32>
    %swap3A = arith.constant 0 : index
    %swap3A_73 = arith.constant 0 : index
    %swap3A_74 = arith.constant 0 : index
    %swap3A_75 = vector.load %arg8[%swap3A, %swap3A_73, %swap3A_74] : memref<1x1024x3xf32, #tpu.memory_space<vmem>>, vector<1x1024x3xf32>
    %swap3A_76 = vector.shape_cast %swap3A_75 : vector<1x1024x3xf32> to vector<1024x3xf32>
    %swap3A_77 = vector.shape_cast %add3A_72 : vector<1024x3xf32> to vector<1x1024x3xf32>
    tpu.vector_store %arg8[%swap3A, %swap3A_73, %swap3A_74], %swap3A_77 {strides = array<i32>} : memref<1x1024x3xf32, #tpu.memory_space<vmem>>, vector<1x1024x3xf32>,
    %swap3A_78 = arith.constant 0 : index
    %swap3A_79 = arith.constant 0 : index
    %swap3A_80 = arith.constant 0 : index
    %swap3A_81 = vector.load %arg9[%swap3A_78, %swap3A_79, %swap3A_80] : memref<1x1024x3xf32, #tpu.memory_space<vmem>>, vector<1x1024x3xf32>
    %swap3A_82 = vector.shape_cast %swap3A_81 : vector<1x1024x3xf32> to vector<1024x3xf32>
    %swap3A_83 = vector.shape_cast %sub3A_18 : vector<1024x3xf32> to vector<1x1024x3xf32>
    tpu.vector_store %arg9[%swap3A_78, %swap3A_79, %swap3A_80], %swap3A_83 {strides = array<i32>} : memref<1x1024x3xf32, #tpu.memory_space<vmem>>, vector<1x1024x3xf32>,
    return
  }
  func.func @transform_0(%arg0: i32) -> (i32, i32, i32) {
    %c0_i32 = arith.constant 0 : i32
    %c0_i32_0 = arith.constant 0 : i32
    %c0_i32_1 = arith.constant 0 : i32
    return %arg0, %c0_i32, %c0_i32_0 : i32, i32, i32
  }
  func.func @transform_1(%arg0: i32) -> (i32, i32, i32) {
    %c0_i32 = arith.constant 0 : i32
    %c0_i32_0 = arith.constant 0 : i32
    %c0_i32_1 = arith.constant 0 : i32
    return %arg0, %c0_i32, %c0_i32_0 : i32, i32, i32
  }
  func.func @transform_2(%arg0: i32) -> (i32, i32, i32) {
    %c0_i32 = arith.constant 0 : i32
    %c0_i32_0 = arith.constant 0 : i32
    %c0_i32_1 = arith.constant 0 : i32
    return %arg0, %c0_i32, %c0_i32_0 : i32, i32, i32
  }
  func.func @transform_3(%arg0: i32) -> (i32, i32) {
    %c0_i32 = arith.constant 0 : i32
    %c0_i32_0 = arith.constant 0 : i32
    %c0_i32_1 = arith.constant 0 : i32
    return %c0_i32, %c0_i32_0 : i32, i32
  }
  func.func @transform_4(%arg0: i32) -> (i32, i32) {
    %c0_i32 = arith.constant 0 : i32
    %c0_i32_0 = arith.constant 0 : i32
    %c0_i32_1 = arith.constant 0 : i32
    return %c0_i32, %c0_i32_0 : i32, i32
  }
  func.func @transform_5(%arg0: i32) -> (i32, i32) {
    %c0_i32 = arith.constant 0 : i32
    %c0_i32_0 = arith.constant 0 : i32
    %c0_i32_1 = arith.constant 0 : i32
    return %c0_i32, %c0_i32_0 : i32, i32
  }
  func.func @transform_6(%arg0: i32) -> (i32, i32) {
    %c0_i32 = arith.constant 0 : i32
    %c0_i32_0 = arith.constant 0 : i32
    %c0_i32_1 = arith.constant 0 : i32
    return %c0_i32, %c0_i32_0 : i32, i32
  }
  func.func @transform_7(%arg0: i32) -> (i32, i32, i32) {
    %c0_i32 = arith.constant 0 : i32
    %c0_i32_0 = arith.constant 0 : i32
    %c0_i32_1 = arith.constant 0 : i32
    return %arg0, %c0_i32, %c0_i32_0 : i32, i32, i32
  }
  func.func @transform_8(%arg0: i32) -> (i32, i32, i32) {
    %c0_i32 = arith.constant 0 : i32
    %c0_i32_0 = arith.constant 0 : i32
    %c0_i32_1 = arith.constant 0 : i32
    return %arg0, %c0_i32, %c0_i32_0 : i32, i32, i32
  }
}

</mosaic_0001>

<sc_bundles>
// kernel: kernel.11.cloned.1.call-start
scs
__scs_entry_jumppad:
0x0: {  	(pc) =	sbr.rel $0x88, $3  }
0x1: {  	(tag) =	ssettag $0x0;
	lr =	simm.s32 $0x1  }
0x2: {  	[smem:$0x3F9A] =	sst lr;
	_ =	strace $0xD0000000  }
0x3: {  	_ = 	snop  }
0x4: {  	_ = 	snop  }
0x5: {  	_ = 	snop  }
0x6: {  	_ = 	snop  }
0x7: {  	_ = 	snop  }
__scs_overlays_trampoline_lowered:
0x8: {  	[smem:$0x3FA9] =	sst s0  }
0x9: {  	[smem:$0x3FAA] =	sst s1  }
0xa: {  	[smem:$0x3FAB] =	sst s2  }
0xb: {  	[smem:$0x3FAC] =	sst s3  }
0xc: {  	[smem:$0x3FAD] =	sst s4  }
0xd: {  	[smem:$0x3FAE] =	sst s5  }
0xe: {  	[smem:$0x3FAF] =	sst s6  }
0xf: {  	[smem:$0x3FB0] =	sst s7  }
0x10: {  	[smem:$0x3FB1] =	sst s8  }
0x11: {  	[smem:$0x3FB2] =	sst s9;
	s0 =	simm.s32 @!p0 $0x0  }
0x12: {  	s1 =	sld [smem:$0x3F98];
	s0 =	simm.s32 @p0 $0x1  }
0x13: {  	[smem:$0x3FB3] =	sst s0;
	s0 =	simm.s32 @!p1 $0x0  }
0x14: {  	s2 =	sld [smem:$0x3F97];
	s0 =	simm.s32 @p1 $0x1  }
0x15: {  	[smem:$0x3FB4] =	sst s0;
	s0 =	simm.s32 @!p2 $0x0  }
0x16: {  	s3 =	sld [smem:$0x3FDB];
	s0 =	simm.s32 @p2 $0x1  }
0x17: {  	s4 =	simm.s32 $0x1BF5;
	[smem:$0x3FB6] =	sst s0  }
0x18: {  	s0 =	sld [smem:$0x3F99];
	_ =	swait.ge [sflag:s4], $0x0  }
0x19: {  	s7 =	sld [smem:$0x3F9A]  }
0x1a: {  	s8 =	sadd.s32 $0xFFFFE003, lr  }
0x1b: {  	s9 =	sadd.s32 $0xFFFFFEF7, lr;
	s5 =	simm.s32 $0xFFFFFFFF;
	p2 =	slt.u32 s8, $0xFFFFF086  }
0x1c: {  	p1 =	slt.u32 s9, $0xF7A;
	s5 =	simm.s32 @!p2 $0x0  }
0x1d: {  	s5 =	simm.s32 @p1 $0x1;
	p0 =	seq.s32 s7, s2  }
0x1e: {  	s7 =	smul.u32 @!p0 $0xF7A, s2;
	p2 =	seq.s32 @!p0 s5, $0x0  }
0x1f: {  	s9 =	smul.u32 $0xF7A, s1;
	s8 =	simm.s32 @!p0 $0x1BF5;
	p2 =	por !p2, p0  }
0x20: {  	[sflag:s8] =	ssyncset.s32 @!p0 $0xFFFFF086;
	s6 =	sadd.s32 @!p0 s3, s7;
	s7 =	simm.s32 @!p0 $0x108  }
0x21: {  	s3 =	sadd.s32 s3, s9;
	s6 =	sadd.s32 @!p0 $0x88, s6;
	s7 =	simm.s32 @p2 $0x1082  }
0x22: {  	[simem:s7], [sflag:s8] =	dma.local @!p0 [hbm:s6], $0xF7A  }
0x23: {  	s9 =	sor.u32 $0xD0000000, s2;
	s6 =	simm.s32 $0x108;
	_ =	swait.ge @!p0 [sflag:s8], $0x0  }
0x24: {  	s3 =	sadd.s32 $0x88, s3;
	s6 =	simm.s32 @!p1 $0x1082;
	[sflag:s4] =	ssyncset.s32 $0xFFFFF086  }
0x25: {  	[simem:s6], [sflag:s4] =	dma.local [hbm:s3], $0xF7A  }
0x26: {  	[smem:$0x3F9A] =	sst s1;
	(tag) =	ssettag s2;
	_ =	strace s9  }
0x27: {  	s1 =	sld [smem:$0x3FAA]  }
0x28: {  	s2 =	sld [smem:$0x3FAB]  }
0x29: {  	s4 =	sld [smem:$0x3FAD]  }
0x2a: {  	p0 =	seq.s32 s5, $0x0;
	s5 =	sld [smem:$0x3FAE]  }
0x2b: {  	s6 =	sld [smem:$0x3FAF]  }
0x2c: {  	s7 =	sld [smem:$0x3FB0]  }
0x2d: {  	s3 =	simm.s32 $0x108;
	s8 =	sld [smem:$0x3FB1]  }
0x2e: {  	s3 =	simm.s32 @!p0 $0x1082;
	s9 =	sld [smem:$0x3FB2]  }
0x2f: {  	lr =	sadd.s32 s0, s3;
	s0 =	sld [smem:$0x3FA9]  }
0x30: {  	s3 =	sld [smem:$0x3FAC]  }
0x31: {  	[smem:$0x3FB5] =	sst s10  }
0x32: {  	s10 =	sld [smem:$0x3FB3];
	_ =	sdelay $0x3  }
0x33: {  	p0 =	seq.s32 s10, $0x1;
	s10 =	sld [smem:$0x3FB5];
	_ =	sdelay $0x3  }
0x34: {  	[smem:$0x3FB5] =	sst s10  }
0x35: {  	s10 =	sld [smem:$0x3FB4];
	_ =	sdelay $0x3  }
0x36: {  	p1 =	seq.s32 s10, $0x1;
	s10 =	sld [smem:$0x3FB5];
	_ =	sdelay $0x3  }
0x37: {  	[smem:$0x3FB5] =	sst s10  }
0x38: {  	s10 =	sld [smem:$0x3FB6]  }
0x39: {  	_ = 	snop;
	(pc) =	sbr.ind lr, $3  }
0x3a: {  	_ = 	snop  }
0x3b: {  	_ = 	snop  }
0x3c: {  	p2 =	seq.s32 s10, $0x1;
	s10 =	sld [smem:$0x3FB5]  }
0x3d: {  	_ =	shalt  }
0x3e: {  	_ =	shalt  }
0x3f: {  	_ =	shalt  }
0x40: {  	_ =	shalt  }
0x41: {  	_ =	shalt  }
0x42: {  	_ =	shalt  }
0x43: {  	_ =	shalt  }
0x44: {  	_ =	shalt  }
0x45: {  	_ =	shalt  }
0x46: {  	_ =	shalt  }
0x47: {  	_ =	shalt  }
0x48: {  	_ =	shalt  }
0x49: {  	_ =	shalt  }
0x4a: {  	_ =	shalt  }
0x4b: {  	_ =	shalt  }
0x4c: {  	_ =	shalt  }
0x4d: {  	_ =	shalt  }
0x4e: {  	_ =	shalt  }
0x4f: {  	_ =	shalt  }
0x50: {  	_ =	shalt  }
0x51: {  	_ =	shalt  }
0x52: {  	_ =	shalt  }
0x53: {  	_ =	shalt  }
0x54: {  	_ =	shalt  }
0x55: {  	_ =	shalt  }
0x56: {  	_ =	shalt  }
0x57: {  	_ =	shalt  }
0x58: {  	_ =	shalt  }
0x59: {  	_ =	shalt  }
0x5a: {  	_ =	shalt  }
0x5b: {  	_ =	shalt  }
0x5c: {  	_ =	shalt  }
0x5d: {  	_ =	shalt  }
0x5e: {  	_ =	shalt  }
0x5f: {  	_ =	shalt  }
0x60: {  	_ =	shalt  }
0x61: {  	_ =	shalt  }
0x62: {  	_ =	shalt  }
0x63: {  	_ =	shalt  }
0x64: {  	_ =	shalt  }
0x65: {  	_ =	shalt  }
0x66: {  	_ =	shalt  }
0x67: {  	_ =	shalt  }
0x68: {  	_ =	shalt  }
0x69: {  	_ =	shalt  }
0x6a: {  	_ =	shalt  }
0x6b: {  	_ =	shalt  }
0x6c: {  	_ =	shalt  }
0x6d: {  	_ =	shalt  }
0x6e: {  	_ =	shalt  }
0x6f: {  	_ =	shalt  }
0x70: {  	_ =	shalt  }
0x71: {  	_ =	shalt  }
0x72: {  	_ =	shalt  }
0x73: {  	_ =	shalt  }
0x74: {  	_ =	shalt  }
0x75: {  	_ =	shalt  }
0x76: {  	_ =	shalt  }
0x77: {  	_ =	shalt  }
0x78: {  	_ =	shalt  }
0x79: {  	_ =	shalt  }
0x7a: {  	_ =	shalt  }
0x7b: {  	_ =	shalt  }
0x7c: {  	_ =	shalt  }
0x7d: {  	_ =	shalt  }
0x7e: {  	_ =	shalt  }
0x7f: {  	_ =	shalt  }
0x80: {  	_ =	shalt  }
0x81: {  	_ =	shalt  }
0x82: {  	_ =	shalt  }
0x83: {  	_ =	shalt  }
0x84: {  	_ =	shalt  }
0x85: {  	_ =	shalt  }
0x86: {  	_ =	shalt  }
0x87: {  	_ =	shalt  }
.Lfunc_end0:
.L_simem_size_0:
called_computation.1_lowered:
.L_overlay_start_0:
0x88: {  	s2 =	sld [smem:$0x3FD9]  }
0x89: {  	s3 =	sld [smem:$0x3FFE];
	_ =	sdelay $0x1  }
0x8a: {  	s1 =	srdreg.scid  }
0x8b: {  	s0 =	sand.u32 $0x1, s1  }
0x8c: {  	s15 =	sshll.u32 s0, $0xA;
	s2 =	sadd.s32 s3, s2  }
0x8d: {  	s2 =	sadd.s32 s2, s15  }
0x8e: {  	[smem:$0x3FC1] =	sst s2  }
0x8f: {  	_ = 	snop  }
0x90: {  	s2 =	sld [smem:$0x3FD0];
	_ =	sdelay $0x2  }
0x91: {  	s16 =	simm.s32 $0xB;
	s4 =	simm.s32 $0x10  }
0x92: {  	[smem:s4], [sflag:s16] =	dma.local [hbm:s2], $0x1  }
0x93: {  	_ =	swait.eq [sflag:s16], $0x1  }
0x94: {  	[sflag:s16] =	ssyncset.done $0x0  }
0x95: {  	[sflag:s16] =	ssyncadd.s32 $0xFFFFFFFF  }
0x96: {  	s17 =	sld [smem:$0x11];
	(tm) =	ssettm $0x1  }
0x97: {  	s18 =	sld [smem:$0x3FFB];
	_ =	sdelay $0x3  }
0x98: {  	_ =	strace s18  }
0x99: {  	s2 =	sld [smem:$0x3FFC];
	_ =	sdelay $0x3  }
0x9a: {  	_ =	strace s2  }
0x9b: {  	s2 =	sld [smem:$0x3FFD];
	_ =	sdelay $0x3  }
0x9c: {  	_ =	strace s2  }
0x9d: {  	_ =	strace $0x8FFFFFFF  }
0x9e: {  	s19 =	sld [smem:$0x3FDB];
	_ =	sdelay $0x1  }
0x9f: {  	s20 =	simm.s32 $_scs_section_size  }
0xa0: {  	s5 =	simm.s32 $_size__tile_overlayer_lowered;
	s6 =	simm.s32 $_tile_overlayer_lowered  }
0xa1: {  	s7 =	simm.s32 $0x1BFF;
	s21 =	sshll.u32 s6, $0x1;
	s4 =	sadd.s32 s20, s19  }
0xa2: {  	s22 =	simm.s32 $0x0;
	s5 =	sshll.u32 s5, $0x1;
	s6 =	sadd.s32 s21, s4  }
0xa3: {  	[timem:s22], [sflag:s7] =	dma.local [hbm:s6], s5  }
0xa4: {  	_ =	swait.ge [sflag:s7], s5  }
0xa5: {  	s5 =	ssub.s32 $0x0, s5;
	[sflag:s7] =	ssyncset.done $0x0  }
0xa6: {  	[sflag:s7] =	ssyncadd.s32 s5;
	_ =	sdelay $0x1  }
0xa7: {  	s23 =	simm.s32 $0x1B8B  }
0xa8: {  	_ =	swait.ge [sflag:s23], $0x1  }
0xa9: {  	[sflag:s23] =	ssyncset.done $0x0  }
0xaa: {  	[sflag:s23] =	ssyncadd.s32 $0xFFFFFFFF  }
0xab: {  	s5 =	sld [smem:$0x0]  }
0xac: {  	s6 =	sand.u32 $0xFFFFFFFE, s1  }
0xad: {  	p0 =	sne.s32 s1, s6  }
0xae: {  	s6 =	sshll.u32 @p0 s6, $0xE  }
0xaf: {  	s6 =	sadd.s32 @p0 $0x11B8D, s6;
	s7 =	sshll.u32 @p0 s5, $0x11  }
0xb0: {  	s6 =	sor.u32 @p0 s7, s6  }
0xb1: {  	[sflag:s6] =	ssyncadd.remote.s32 @p0 $0x1;
	_ =	sdelay $0x1  }
0xb2: {  	s6 =	simm.s32 @p0 $0x1B8D  }
0xb3: {  	_ =	swait.eq @p0 [sflag:s6], $0x1  }
0xb4: {  	[sflag:s6] =	ssyncadd.s32 @p0 $0xFFFFFFFF  }
0xb5: {  	s7 =	sshll.u32 @!p0 s1, $0xE  }
0xb6: {  	s7 =	sor.u32 @!p0 $0x4000, s7;
	s6 =	simm.s32 @!p0 $0x1B8D  }
0xb7: {  	s5 =	sshll.u32 @!p0 s5, $0x11;
	s7 =	sadd.s32 @!p0 $0x11B8D, s7;
	_ =	swait.eq @!p0 [sflag:s6], $0x1  }
0xb8: {  	s5 =	sor.u32 @!p0 s5, s7;
	[sflag:s6] =	ssyncadd.s32 @!p0 $0xFFFFFFFF  }
0xb9: {  	s25 =	simm.s32 $0x1B8E;
	s24 =	sld [smem:$0x3FFE];
	[sflag:s5] =	ssyncadd.remote.s32 @!p0 $0x1  }
0xba: {  	s26 =	simm.s32 $execute0_lowered;
	[smem:$0x3FD2] =	sst s25  }
0xbb: {  	s6 =	sshll.u32 s26, $0x1;
	_ =	strace $0x80000049;
	[dreg:$0x1] =	wrdreg $0xFFFFFFFF  }
0xbc: {  	s28 =	simm.s32 $_size_execute0_lowered;
	s4 =	sadd.s32 s4, s6;
	[dreg:$0x0] =	wrdreg $0x0  }
0xbd: {  	s6 =	sshll.u32 s28, $0x1;
	[dreg:$0x2] =	wrdreg s4  }
0xbe: {  	[dreg:$0x3] =	wrdreg s6  }
0xbf: {  	[dreg:$0x4] =	wrdreg $0xC0  }
0xc0: {  	_ =	task [dreg:s22], $0x5FFFF  }
0xc1: {  	[dreg:$0x1] =	wrdreg $0xFFFFFFFF  }
0xc2: {  	[dreg:$0x0] =	wrdreg $0x60  }
0xc3: {  	[dreg:$0x2] =	wrdreg s24  }
0xc4: {  	[dreg:$0x3] =	wrdreg s17  }
0xc5: {  	[dreg:$0x4] =	wrdreg $0xA  }
0xc6: {  	_ =	task.clear_ibuf [dreg:s22], $0x5FFFF;
	_ =	strace $0x90000049  }
0xc7: {  	s29 =	simm.s32 $0xA;
	_ =	strace $0x8000004B  }
0xc8: {  	_ =	swait.ge [sflag:s29], $0x1  }
0xc9: {  	[sflag:s29] =	ssyncadd.s32 $0xFFFFFFFF  }
0xca: {  	_ =	strace $0x9000004B  }
0xcb: {  	_ =	sfence  }
0xcc: {  	s30 =	sld [smem:$0x0];
	_ =	sdelay $0x2  }
0xcd: {  	s31 =	sshll.u32 s1, $0xD;
	s1 =	sshrl.u32 s1, $0x2  }
0xce: {  	s4 =	sand.u32 $0x4000, s31;
	s1 =	sadd.s32 s1, s30  }
0xcf: {  	s0 =	sor.u32 s4, s0;
	s1 =	sshll.u32 s1, $0x11  }
0xd0: {  	s0 =	sor.u32 s1, s0  }
0xd1: {  	s0 =	sadd.s32 $0x8F2B, s0  }
0xd2: {  	[sflag:s0] =	ssyncadd.remote.s32 $0x1  }
0xd3: {  	_ =	sfence.sel $0xFFFF  }
0xd4: {  	[dreg:$0x0] =	wrdreg $0xFFFFFFFF;
	(pc) =	sbr.abs _section_cstart, $3  }
0xd5: {  	[dreg:$0x1] =	wrdreg $0xFFFFFFFF  }
0xd6: {  	_ =	task.clear_ibuf [dreg:s22], $0x2FFFF;
	_ =	strace $0x9FFFFFFF  }
0xd7: {  	(tm) =	ssettm $0x7FFFFFFF  }
tec
execute0_lowered:
.L_overlay_start_1:
0x0: {  	(tag) =	ssettag $0x1  }
0x1: {  	s1 =	srdreg.scid  }
0x2: {  	s8 =	rddreg [dreg:$0x0];
	s0 =	stileid.u32  }
0x3: {  	s3 =	rddreg [dreg:$0x1];
	s2 =	simm.s32 $0x0;
	s6 =	sand.u32 $0x1, s1  }
0x4: {  	s4 =	sshll.u32 s0, $0x9;
	s1 =	rddreg [dreg:$0x2];
	s5 =	sshll.u32 s6, $0x8  }
0x5: {  	s7 =	simm.s32 $0x1;
	[smem:$0x7FF] =	sst s2;
	s9 =	sor.u32 s5, s4  }
0x6: {  	_ =	strace $0x8000004A;
	s10 =	ssub.s32 $0x2, s6;
	s4 =	sshrl.u32 s9, $0x3  }
0x7: {  	s6 =	simm.s32 $0x100;
	s4 =	sadd.s32 s3, s4;
	s3 =	simm.s32 $0x2  }
0x8: {  	[tilespmem:s2], [sflag:$0x2] =	stream.linear.gather [hbm4b:s4+s2], $0x100, $0x38;
	[tilespmem:$0x8100] =	vst v63  }
0x9: {  	s5 =	sadd.s32 $0x42E00, s8;
	s11 =	sshrl.u32 s10, $0x1;
	_ =	swait.ge [sflag:s3], $0x100  }
0xa: {  	s9 =	sshll.u32 s9, $0x4;
	s31 =	ssub.s32 s10, s11;
	[sflag:s3] =	ssyncset.done $0x0  }
0xb: {  	s8 =	sadd.s32 s9, s8;
	s9 =	smax.u32 s31, $0x1;
	[sflag:s3] =	ssyncadd.s32 $0xFFFFFF00  }
0xc: {  	[tilespmem:s6], [sflag:$0x1] =	stream.indirect.gather [hbm4b:s5+s6], $0x80, s2, s6, $0xb8;
	[tilespmem:$0x8100] =	vst v63  }
0xd: {  	p0 =	sne.s32 s9, $0x1;
	_ =	swait.ge [sflag:s7], $0x8000  }
.Ltmp0:
0xe: {  	[sflag:s7] =	ssyncset.done $0x0;
	(pc) =	sbr.rel @!p0 .LBB2_2-.Ltmp0, $4  }
0xf: {  	s8 =	sadd.s32 $0x62E00, s8;
	[sflag:s7] =	ssyncadd.s32 $0xFFFF8000  }
0x10: {  	[hbm4b:s8+s2] =	stream.linear.scatter [tilespmem:s6], [sflag:$0x2], $0x8000, $0x38;
	[tilespmem:$0x8100] =	vst v63  }
0x11: {  	_ =	swait.ge [sflag:s3], $0x8000  }
0x12: {  	s9 =	sadd.s32 $0xFFFFFFFF, s9;
	[sflag:s3] =	ssyncset.done $0x0  }
.LBB2_1:
0x13: {  	p0 =	sne.s32 s9, $0x1;
	s9 =	sadd.s32 $0xFFFFFFFF, s9;
	[sflag:s3] =	ssyncadd.s32 $0xFFFF8000  }
0x14: {  	[tilespmem:s2], [sflag:$0x2] =	stream.linear.gather [hbm4b:s4+s2], $0x100, $0x38;
	[tilespmem:$0x8100] =	vst v63  }
0x15: {  	_ =	swait.ge [sflag:s3], $0x100  }
0x16: {  	[sflag:s3] =	ssyncset.done $0x0  }
0x17: {  	[sflag:s3] =	ssyncadd.s32 $0xFFFFFF00  }
0x18: {  	[tilespmem:s6], [sflag:$0x1] =	stream.indirect.gather [hbm4b:s5+s6], $0x80, s2, s6, $0xb8;
	[tilespmem:$0x8100] =	vst v63  }
0x19: {  	_ =	swait.ge [sflag:s7], $0x8000  }
.Ltmp1:
0x1a: {  	[sflag:s7] =	ssyncset.done $0x0;
	(pc) =	sbr.rel @p0 .LBB2_1-.Ltmp1, $4  }
0x1b: {  	[sflag:s7] =	ssyncadd.s32 $0xFFFF8000  }
0x1c: {  	[hbm4b:s8+s2] =	stream.linear.scatter [tilespmem:s6], [sflag:$0x2], $0x8000, $0x38;
	[tilespmem:$0x8100] =	vst v63  }
0x1d: {  	_ =	swait.ge [sflag:s3], $0x8000  }
0x1e: {  	[sflag:s3] =	ssyncset.done $0x0  }
.LBB2_2:
0x1f: {  	[sflag:s3] =	ssyncadd.s32 $0xFFFF8000  }
0x20: {  	_ =	sfence.sel $0x180000  }
0x21: {  	[bflag:$0x0] =	sbarrier.arrive $0xFFFF  }
0x22: {  	p0 =	sne.s32 s0, $0x0;
	_ =	strace $0x9000004A  }
0x23: {  	s0 =	sadd.s32 @!p0 $0x100000, s1;
	[bflag:$0x2] =	sbarrier.arrive $0xFFFF  }
0x24: {  	[sflag:s0] =	ssyncadd.tile.s32 @!p0 $0x1;
	_ =	shalt  }
.Lfunc_end2:
_tile_overlayer_lowered:
.L_overlay_start_2:
0x25: {  	(tag) =	ssettag $0x2  }
0x26: {  	s0 =	rddreg [dreg:$0x0];
	s2 =	stileid.u32  }
0x27: {  	s1 =	rddreg [dreg:$0x1];
	p0 =	sne.s32 s2, $0x0  }
0x28: {  	s3 =	rddreg [dreg:$0x2];
	[bflag:$0x3] =	sbarrier.arrive $0xFFFF;
	s2 =	simm.s32 @!p0 $0x1C02  }
0x29: {  	[timem:s3], [sflag:s2] =	dma.local @!p0 [hbm:s0], s1  }
0x2a: {  	s0 =	simm.s32 @!p0 $0x2  }
0x2b: {  	_ =	swait.ge @!p0 [sflag:s0], s1  }
0x2c: {  	s1 =	ssub.s32 @!p0 $0x0, s1;
	[sflag:s0] =	ssyncset.done @!p0 $0x0  }
0x2d: {  	[sflag:s0] =	ssyncadd.s32 @!p0 s1  }
0x2e: {  	[bflag:$0x3] =	sbarrier.arrive $0xFFFF  }
0x2f: {  	_ =	shalt  }

// kernel: kernel.8.cloned.1.call-start
scs
__scs_entry_jumppad:
0x0: {  	(pc) =	sbr.rel $0x88, $3  }
0x1: {  	(tag) =	ssettag $0x0;
	lr =	simm.s32 $0x1  }
0x2: {  	[smem:$0x3F9A] =	sst lr;
	_ =	strace $0xD0000000  }
0x3: {  	_ = 	snop  }
0x4: {  	_ = 	snop  }
0x5: {  	_ = 	snop  }
0x6: {  	_ = 	snop  }
0x7: {  	_ = 	snop  }
__scs_overlays_trampoline_lowered:
0x8: {  	[smem:$0x3FA9] =	sst s0  }
0x9: {  	[smem:$0x3FAA] =	sst s1  }
0xa: {  	[smem:$0x3FAB] =	sst s2  }
0xb: {  	[smem:$0x3FAC] =	sst s3  }
0xc: {  	[smem:$0x3FAD] =	sst s4  }
0xd: {  	[smem:$0x3FAE] =	sst s5  }
0xe: {  	[smem:$0x3FAF] =	sst s6  }
0xf: {  	[smem:$0x3FB0] =	sst s7  }
0x10: {  	[smem:$0x3FB1] =	sst s8  }
0x11: {  	[smem:$0x3FB2] =	sst s9;
	s0 =	simm.s32 @!p0 $0x0  }
0x12: {  	s1 =	sld [smem:$0x3F98];
	s0 =	simm.s32 @p0 $0x1  }
0x13: {  	[smem:$0x3FB3] =	sst s0;
	s0 =	simm.s32 @!p1 $0x0  }
0x14: {  	s2 =	sld [smem:$0x3F97];
	s0 =	simm.s32 @p1 $0x1  }
0x15: {  	[smem:$0x3FB4] =	sst s0;
	s0 =	simm.s32 @!p2 $0x0  }
0x16: {  	s3 =	sld [smem:$0x3FDB];
	s0 =	simm.s32 @p2 $0x1  }
0x17: {  	s4 =	simm.s32 $0x1BF5;
	[smem:$0x3FB6] =	sst s0  }
0x18: {  	s0 =	sld [smem:$0x3F99];
	_ =	swait.ge [sflag:s4], $0x0  }
0x19: {  	s7 =	sld [smem:$0x3F9A]  }
0x1a: {  	s8 =	sadd.s32 $0xFFFFE003, lr  }
0x1b: {  	s9 =	sadd.s32 $0xFFFFFEF7, lr;
	s5 =	simm.s32 $0xFFFFFFFF;
	p2 =	slt.u32 s8, $0xFFFFF086  }
0x1c: {  	p1 =	slt.u32 s9, $0xF7A;
	s5 =	simm.s32 @!p2 $0x0  }
0x1d: {  	s5 =	simm.s32 @p1 $0x1;
	p0 =	seq.s32 s7, s2  }
0x1e: {  	s7 =	smul.u32 @!p0 $0xF7A, s2;
	p2 =	seq.s32 @!p0 s5, $0x0  }
0x1f: {  	s9 =	smul.u32 $0xF7A, s1;
	s8 =	simm.s32 @!p0 $0x1BF5;
	p2 =	por !p2, p0  }
0x20: {  	[sflag:s8] =	ssyncset.s32 @!p0 $0xFFFFF086;
	s6 =	sadd.s32 @!p0 s3, s7;
	s7 =	simm.s32 @!p0 $0x108  }
0x21: {  	s3 =	sadd.s32 s3, s9;
	s6 =	sadd.s32 @!p0 $0x88, s6;
	s7 =	simm.s32 @p2 $0x1082  }
0x22: {  	[simem:s7], [sflag:s8] =	dma.local @!p0 [hbm:s6], $0xF7A  }
0x23: {  	s9 =	sor.u32 $0xD0000000, s2;
	s6 =	simm.s32 $0x108;
	_ =	swait.ge @!p0 [sflag:s8], $0x0  }
0x24: {  	s3 =	sadd.s32 $0x88, s3;
	s6 =	simm.s32 @!p1 $0x1082;
	[sflag:s4] =	ssyncset.s32 $0xFFFFF086  }
0x25: {  	[simem:s6], [sflag:s4] =	dma.local [hbm:s3], $0xF7A  }
0x26: {  	[smem:$0x3F9A] =	sst s1;
	(tag) =	ssettag s2;
	_ =	strace s9  }
0x27: {  	s1 =	sld [smem:$0x3FAA]  }
0x28: {  	s2 =	sld [smem:$0x3FAB]  }
0x29: {  	s4 =	sld [smem:$0x3FAD]  }
0x2a: {  	p0 =	seq.s32 s5, $0x0;
	s5 =	sld [smem:$0x3FAE]  }
0x2b: {  	s6 =	sld [smem:$0x3FAF]  }
0x2c: {  	s7 =	sld [smem:$0x3FB0]  }
0x2d: {  	s3 =	simm.s32 $0x108;
	s8 =	sld [smem:$0x3FB1]  }
0x2e: {  	s3 =	simm.s32 @!p0 $0x1082;
	s9 =	sld [smem:$0x3FB2]  }
0x2f: {  	lr =	sadd.s32 s0, s3;
	s0 =	sld [smem:$0x3FA9]  }
0x30: {  	s3 =	sld [smem:$0x3FAC]  }
0x31: {  	[smem:$0x3FB5] =	sst s10  }
0x32: {  	s10 =	sld [smem:$0x3FB3];
	_ =	sdelay $0x3  }
0x33: {  	p0 =	seq.s32 s10, $0x1;
	s10 =	sld [smem:$0x3FB5];
	_ =	sdelay $0x3  }
0x34: {  	[smem:$0x3FB5] =	sst s10  }
0x35: {  	s10 =	sld [smem:$0x3FB4];
	_ =	sdelay $0x3  }
0x36: {  	p1 =	seq.s32 s10, $0x1;
	s10 =	sld [smem:$0x3FB5];
	_ =	sdelay $0x3  }
0x37: {  	[smem:$0x3FB5] =	sst s10  }
0x38: {  	s10 =	sld [smem:$0x3FB6]  }
0x39: {  	_ = 	snop;
	(pc) =	sbr.ind lr, $3  }
0x3a: {  	_ = 	snop  }
0x3b: {  	_ = 	snop  }
0x3c: {  	p2 =	seq.s32 s10, $0x1;
	s10 =	sld [smem:$0x3FB5]  }
0x3d: {  	_ =	shalt  }
0x3e: {  	_ =	shalt  }
0x3f: {  	_ =	shalt  }
0x40: {  	_ =	shalt  }
0x41: {  	_ =	shalt  }
0x42: {  	_ =	shalt  }
0x43: {  	_ =	shalt  }
0x44: {  	_ =	shalt  }
0x45: {  	_ =	shalt  }
0x46: {  	_ =	shalt  }
0x47: {  	_ =	shalt  }
0x48: {  	_ =	shalt  }
0x49: {  	_ =	shalt  }
0x4a: {  	_ =	shalt  }
0x4b: {  	_ =	shalt  }
0x4c: {  	_ =	shalt  }
0x4d: {  	_ =	shalt  }
0x4e: {  	_ =	shalt  }
0x4f: {  	_ =	shalt  }
0x50: {  	_ =	shalt  }
0x51: {  	_ =	shalt  }
0x52: {  	_ =	shalt  }
0x53: {  	_ =	shalt  }
0x54: {  	_ =	shalt  }
0x55: {  	_ =	shalt  }
0x56: {  	_ =	shalt  }
0x57: {  	_ =	shalt  }
0x58: {  	_ =	shalt  }
0x59: {  	_ =	shalt  }
0x5a: {  	_ =	shalt  }
0x5b: {  	_ =	shalt  }
0x5c: {  	_ =	shalt  }
0x5d: {  	_ =	shalt  }
0x5e: {  	_ =	shalt  }
0x5f: {  	_ =	shalt  }
0x60: {  	_ =	shalt  }
0x61: {  	_ =	shalt  }
0x62: {  	_ =	shalt  }
0x63: {  	_ =	shalt  }
0x64: {  	_ =	shalt  }
0x65: {  	_ =	shalt  }
0x66: {  	_ =	shalt  }
0x67: {  	_ =	shalt  }
0x68: {  	_ =	shalt  }
0x69: {  	_ =	shalt  }
0x6a: {  	_ =	shalt  }
0x6b: {  	_ =	shalt  }
0x6c: {  	_ =	shalt  }
0x6d: {  	_ =	shalt  }
0x6e: {  	_ =	shalt  }
0x6f: {  	_ =	shalt  }
0x70: {  	_ =	shalt  }
0x71: {  	_ =	shalt  }
0x72: {  	_ =	shalt  }
0x73: {  	_ =	shalt  }
0x74: {  	_ =	shalt  }
0x75: {  	_ =	shalt  }
0x76: {  	_ =	shalt  }
0x77: {  	_ =	shalt  }
0x78: {  	_ =	shalt  }
0x79: {  	_ =	shalt  }
0x7a: {  	_ =	shalt  }
0x7b: {  	_ =	shalt  }
0x7c: {  	_ =	shalt  }
0x7d: {  	_ =	shalt  }
0x7e: {  	_ =	shalt  }
0x7f: {  	_ =	shalt  }
0x80: {  	_ =	shalt  }
0x81: {  	_ =	shalt  }
0x82: {  	_ =	shalt  }
0x83: {  	_ =	shalt  }
0x84: {  	_ =	shalt  }
0x85: {  	_ =	shalt  }
0x86: {  	_ =	shalt  }
0x87: {  	_ =	shalt  }
.Lfunc_end0:
.L_simem_size_0:
called_computation_lowered:
.L_overlay_start_0:
0x88: {  	s2 =	sld [smem:$0x3FD9]  }
0x89: {  	s3 =	sld [smem:$0x3FFE];
	_ =	sdelay $0x1  }
0x8a: {  	s1 =	srdreg.scid  }
0x8b: {  	s0 =	sand.u32 $0x1, s1  }
0x8c: {  	s14 =	sshll.u32 s0, $0xA;
	s2 =	sadd.s32 s3, s2  }
0x8d: {  	s2 =	sadd.s32 s2, s14  }
0x8e: {  	[smem:$0x3FC1] =	sst s2  }
0x8f: {  	_ = 	snop  }
0x90: {  	s2 =	sld [smem:$0x3FD0];
	_ =	sdelay $0x2  }
0x91: {  	s15 =	simm.s32 $0xB;
	s4 =	simm.s32 $0x10  }
0x92: {  	[smem:s4], [sflag:s15] =	dma.local [hbm:s2], $0x1  }
0x93: {  	_ =	swait.eq [sflag:s15], $0x1  }
0x94: {  	[sflag:s15] =	ssyncset.done $0x0  }
0x95: {  	[sflag:s15] =	ssyncadd.s32 $0xFFFFFFFF  }
0x96: {  	s16 =	sld [smem:$0x10];
	(tm) =	ssettm $0x1  }
0x97: {  	s17 =	sld [smem:$0x3FFB];
	_ =	sdelay $0x3  }
0x98: {  	_ =	strace s17  }
0x99: {  	s3 =	sld [smem:$0x3FFC];
	_ =	sdelay $0x3  }
0x9a: {  	_ =	strace s3  }
0x9b: {  	s3 =	sld [smem:$0x3FFD];
	_ =	sdelay $0x3  }
0x9c: {  	_ =	strace s3  }
0x9d: {  	_ =	strace $0x8FFFFFFF  }
0x9e: {  	s18 =	sld [smem:$0x3FDB];
	_ =	sdelay $0x1  }
0x9f: {  	s19 =	simm.s32 $_scs_section_size  }
0xa0: {  	s5 =	simm.s32 $_size__tile_overlayer_lowered;
	s6 =	simm.s32 $_tile_overlayer_lowered  }
0xa1: {  	s22 =	simm.s32 $0x1BFF;
	s21 =	sshll.u32 s6, $0x1;
	s3 =	sadd.s32 s19, s18  }
0xa2: {  	s7 =	simm.s32 $0x0;
	s20 =	sshll.u32 s5, $0x1;
	s5 =	sadd.s32 s21, s3  }
0xa3: {  	[timem:s7], [sflag:s22] =	dma.local [hbm:s5], s20  }
0xa4: {  	_ =	swait.ge [sflag:s22], s20  }
0xa5: {  	s4 =	ssub.s32 $0x0, s20;
	[sflag:s22] =	ssyncset.done $0x0  }
0xa6: {  	[sflag:s22] =	ssyncadd.s32 s4;
	_ =	sdelay $0x1  }
0xa7: {  	s23 =	simm.s32 $0x1B8B  }
0xa8: {  	_ =	swait.ge [sflag:s23], $0x1  }
0xa9: {  	[sflag:s23] =	ssyncset.done $0x0  }
0xaa: {  	s25 =	simm.s32 $0x1B8E;
	s24 =	sld [smem:$0x3FFE];
	[sflag:s23] =	ssyncadd.s32 $0xFFFFFFFF  }
0xab: {  	s26 =	simm.s32 $execute0_lowered;
	[smem:$0x3FD2] =	sst s25  }
0xac: {  	s5 =	sshll.u32 s26, $0x1;
	_ =	strace $0x80000046;
	[dreg:$0x1] =	wrdreg $0xFFFFFFFF  }
0xad: {  	s28 =	simm.s32 $_size_execute0_lowered;
	s3 =	sadd.s32 s3, s5;
	[dreg:$0x0] =	wrdreg $0x0  }
0xae: {  	s5 =	sshll.u32 s28, $0x1;
	[dreg:$0x2] =	wrdreg s3  }
0xaf: {  	[dreg:$0x3] =	wrdreg s5  }
0xb0: {  	[dreg:$0x4] =	wrdreg $0xC0  }
0xb1: {  	_ =	task [dreg:s7], $0x5FFFF  }
0xb2: {  	[dreg:$0x1] =	wrdreg $0xFFFFFFFF  }
0xb3: {  	[dreg:$0x0] =	wrdreg $0x60  }
0xb4: {  	[dreg:$0x2] =	wrdreg s24  }
0xb5: {  	[dreg:$0x3] =	wrdreg s16  }
0xb6: {  	[dreg:$0x4] =	wrdreg $0x9  }
0xb7: {  	_ =	task.clear_ibuf [dreg:s7], $0x5FFFF;
	_ =	strace $0x90000046  }
0xb8: {  	s29 =	simm.s32 $0x9;
	_ =	strace $0x80000048  }
0xb9: {  	_ =	swait.ge [sflag:s29], $0x1  }
0xba: {  	[sflag:s29] =	ssyncadd.s32 $0xFFFFFFFF  }
0xbb: {  	_ =	strace $0x90000048  }
0xbc: {  	_ =	sfence  }
0xbd: {  	s30 =	sld [smem:$0x0];
	_ =	sdelay $0x2  }
0xbe: {  	s31 =	sshll.u32 s1, $0xD;
	s1 =	sshrl.u32 s1, $0x2  }
0xbf: {  	s3 =	sand.u32 $0x4000, s31;
	s1 =	sadd.s32 s1, s30  }
0xc0: {  	s0 =	sor.u32 s3, s0;
	s1 =	sshll.u32 s1, $0x11  }
0xc1: {  	s0 =	sor.u32 s1, s0  }
0xc2: {  	s0 =	sadd.s32 $0x8F2B, s0  }
0xc3: {  	[sflag:s0] =	ssyncadd.remote.s32 $0x1  }
0xc4: {  	_ =	sfence.sel $0xFFFF  }
0xc5: {  	[dreg:$0x0] =	wrdreg $0xFFFFFFFF;
	(pc) =	sbr.abs _section_cstart, $3  }
0xc6: {  	[dreg:$0x1] =	wrdreg $0xFFFFFFFF  }
0xc7: {  	_ =	task.clear_ibuf [dreg:s7], $0x2FFFF;
	_ =	strace $0x9FFFFFFF  }
0xc8: {  	(tm) =	ssettm $0x7FFFFFFF  }
0xc9: {  	_ =	shalt  }
tec
execute0_lowered:
.L_overlay_start_1:
0x0: {  	(tag) =	ssettag $0x1  }
0x1: {  	s1 =	srdreg.scid  }
0x2: {  	s8 =	rddreg [dreg:$0x0];
	s0 =	stileid.u32  }
0x3: {  	s3 =	rddreg [dreg:$0x1];
	s2 =	simm.s32 $0x0;
	s6 =	sand.u32 $0x1, s1  }
0x4: {  	s4 =	sshll.u32 s0, $0x9;
	s1 =	rddreg [dreg:$0x2];
	s5 =	sshll.u32 s6, $0x8  }
0x5: {  	s7 =	simm.s32 $0x1;
	[smem:$0x7FF] =	sst s2;
	s9 =	sor.u32 s5, s4  }
0x6: {  	_ =	strace $0x80000047;
	s10 =	ssub.s32 $0x2, s6;
	s4 =	sshrl.u32 s9, $0x3  }
0x7: {  	s6 =	simm.s32 $0x100;
	s4 =	sadd.s32 s3, s4;
	s3 =	simm.s32 $0x2  }
0x8: {  	[tilespmem:s2], [sflag:$0x2] =	stream.linear.gather [hbm4b:s4+s2], $0x100, $0x38;
	[tilespmem:$0x8100] =	vst v63  }
0x9: {  	s5 =	sadd.s32 $0x2E00, s8;
	s11 =	sshrl.u32 s10, $0x1;
	_ =	swait.ge [sflag:s3], $0x100  }
0xa: {  	s9 =	sshll.u32 s9, $0x4;
	s31 =	ssub.s32 s10, s11;
	[sflag:s3] =	ssyncset.done $0x0  }
0xb: {  	s8 =	sadd.s32 s9, s8;
	s9 =	smax.u32 s31, $0x1;
	[sflag:s3] =	ssyncadd.s32 $0xFFFFFF00  }
0xc: {  	[tilespmem:s6], [sflag:$0x1] =	stream.indirect.gather [hbm4b:s5+s6], $0x80, s2, s6, $0xb8;
	[tilespmem:$0x8100] =	vst v63  }
0xd: {  	p0 =	sne.s32 s9, $0x1;
	_ =	swait.ge [sflag:s7], $0x8000  }
.Ltmp0:
0xe: {  	[sflag:s7] =	ssyncset.done $0x0;
	(pc) =	sbr.rel @!p0 .LBB2_2-.Ltmp0, $4  }
0xf: {  	s8 =	sadd.s32 $0x22E00, s8;
	[sflag:s7] =	ssyncadd.s32 $0xFFFF8000  }
0x10: {  	[hbm4b:s8+s2] =	stream.linear.scatter [tilespmem:s6], [sflag:$0x2], $0x8000, $0x38;
	[tilespmem:$0x8100] =	vst v63  }
0x11: {  	_ =	swait.ge [sflag:s3], $0x8000  }
0x12: {  	s9 =	sadd.s32 $0xFFFFFFFF, s9;
	[sflag:s3] =	ssyncset.done $0x0  }
.LBB2_1:
0x13: {  	p0 =	sne.s32 s9, $0x1;
	s9 =	sadd.s32 $0xFFFFFFFF, s9;
	[sflag:s3] =	ssyncadd.s32 $0xFFFF8000  }
0x14: {  	[tilespmem:s2], [sflag:$0x2] =	stream.linear.gather [hbm4b:s4+s2], $0x100, $0x38;
	[tilespmem:$0x8100] =	vst v63  }
0x15: {  	_ =	swait.ge [sflag:s3], $0x100  }
0x16: {  	[sflag:s3] =	ssyncset.done $0x0  }
0x17: {  	[sflag:s3] =	ssyncadd.s32 $0xFFFFFF00  }
0x18: {  	[tilespmem:s6], [sflag:$0x1] =	stream.indirect.gather [hbm4b:s5+s6], $0x80, s2, s6, $0xb8;
	[tilespmem:$0x8100] =	vst v63  }
0x19: {  	_ =	swait.ge [sflag:s7], $0x8000  }
.Ltmp1:
0x1a: {  	[sflag:s7] =	ssyncset.done $0x0;
	(pc) =	sbr.rel @p0 .LBB2_1-.Ltmp1, $4  }
0x1b: {  	[sflag:s7] =	ssyncadd.s32 $0xFFFF8000  }
0x1c: {  	[hbm4b:s8+s2] =	stream.linear.scatter [tilespmem:s6], [sflag:$0x2], $0x8000, $0x38;
	[tilespmem:$0x8100] =	vst v63  }
0x1d: {  	_ =	swait.ge [sflag:s3], $0x8000  }
0x1e: {  	[sflag:s3] =	ssyncset.done $0x0  }
.LBB2_2:
0x1f: {  	[sflag:s3] =	ssyncadd.s32 $0xFFFF8000  }
0x20: {  	_ =	sfence.sel $0x180000  }
0x21: {  	[bflag:$0x0] =	sbarrier.arrive $0xFFFF  }
0x22: {  	p0 =	sne.s32 s0, $0x0;
	_ =	strace $0x90000047  }
0x23: {  	s0 =	sadd.s32 @!p0 $0x100000, s1;
	[bflag:$0x2] =	sbarrier.arrive $0xFFFF  }
0x24: {  	[sflag:s0] =	ssyncadd.tile.s32 @!p0 $0x1;
	_ =	shalt  }
.Lfunc_end2:
_tile_overlayer_lowered:
.L_overlay_start_2:
0x25: {  	(tag) =	ssettag $0x2  }
0x26: {  	s0 =	rddreg [dreg:$0x0];
	s2 =	stileid.u32  }
0x27: {  	s1 =	rddreg [dreg:$0x1];
	p0 =	sne.s32 s2, $0x0  }
0x28: {  	s3 =	rddreg [dreg:$0x2];
	[bflag:$0x3] =	sbarrier.arrive $0xFFFF;
	s2 =	simm.s32 @!p0 $0x1C02  }
0x29: {  	[timem:s3], [sflag:s2] =	dma.local @!p0 [hbm:s0], s1  }
0x2a: {  	s0 =	simm.s32 @!p0 $0x2  }
0x2b: {  	_ =	swait.ge @!p0 [sflag:s0], s1  }
0x2c: {  	s1 =	ssub.s32 @!p0 $0x0, s1;
	[sflag:s0] =	ssyncset.done @!p0 $0x0  }
0x2d: {  	[sflag:s0] =	ssyncadd.s32 @!p0 s1  }
0x2e: {  	[bflag:$0x3] =	sbarrier.arrive $0xFFFF  }
0x2f: {  	_ =	shalt  }

</sc_bundles>
